<compile_context>
chip_gen: v7x
topology: tpu7x:2x2x1
jax: 0.10.2.dev20260603
libtpu: 0.0.44.dev20260713+nightly
codegen_flags: <defaults>
</compile_context>

<pallas_src>
import functools

import jax
import jax.numpy as jnp
from jax import lax
from jax.experimental import pallas as pl
from jax.experimental.pallas import tpu as pltpu
from jax.experimental.pallas import tpu_sc as plsc

R = 128
N = 32768
L = 16
NW = 32
SC_ROWS = 64
TC_ROWS = R - SC_ROWS
ROWS_PER_W = SC_ROWS // NW
ACC = 8

TC_BLK = 16


def _bcast_max(x):
    fwd = plsc.cummax(x)
    bwd = lax.rev(plsc.cummax(lax.rev(x, (0,))), (0,))
    return jnp.maximum(fwd, bwd)


def _combine(a1, a2, b1, b2):
    n1 = jnp.maximum(a1, b1)
    n2 = jnp.maximum(jnp.minimum(a1, b1), jnp.maximum(a2, b2))
    return n1, n2


_mesh = plsc.VectorSubcoreMesh(core_axis_name="c", subcore_axis_name="s")


NBUF = 3
CHUNK = 8192
SC_COLS = 24576
CHUNKS_PER_ROW = SC_COLS // CHUNK
CSTEPS = CHUNK // (L * ACC)
TOTAL_CHUNKS = ROWS_PER_W * CHUNKS_PER_ROW


@functools.partial(
    pl.kernel,
    mesh=_mesh,
    out_type=jax.ShapeDtypeStruct((NW, L), jnp.float32),
    scratch_types=[
        pltpu.VMEM((CHUNK,), jnp.float32),
        pltpu.VMEM((CHUNK,), jnp.float32),
        pltpu.VMEM((CHUNK,), jnp.float32),
        pltpu.VMEM((L,), jnp.float32),
        pltpu.SemaphoreType.DMA,
        pltpu.SemaphoreType.DMA,
        pltpu.SemaphoreType.DMA,
    ],
    compiler_params=pltpu.CompilerParams(needs_layout_passes=False),
)
def _top2_margin_sc(logits_hbm, out_hbm, buf0, buf1, buf2, res_v,
                    sem0, sem1, sem2):
    cid = lax.axis_index("c")
    sid = lax.axis_index("s")
    wid = cid * 16 + sid
    base = wid * ROWS_PER_W
    sems = (sem0, sem1, sem2)
    bufs = (buf0, buf1, buf2)

    def issue(g):
        row_ref = logits_hbm.at[base + g // CHUNKS_PER_ROW]
        src = row_ref.at[pl.ds((g % CHUNKS_PER_ROW) * CHUNK, CHUNK)]
        return pltpu.async_copy(src, bufs[g % NBUF], sems[g % NBUF])

    copies = {}
    for g in range(min(NBUF - 1, TOTAL_CHUNKS)):
        copies[g] = issue(g)

    res = jnp.zeros((L,), jnp.float32)
    neg = jnp.full((L,), -jnp.inf, jnp.float32)
    m1l = m2l = None
    for g in range(TOTAL_CHUNKS):
        if g + NBUF - 1 < TOTAL_CHUNKS:
            copies[g + NBUF - 1] = issue(g + NBUF - 1)
        copies[g].wait()
        chunk_ref = bufs[g % NBUF]

        if g % CHUNKS_PER_ROW == 0:
            m1l = tuple([neg] * ACC)
            m2l = tuple([neg] * ACC)

        @plsc.parallel_loop(0, CSTEPS, unroll=2, carry=(m1l, m2l))
        def _chunk_loop(i, carry, chunk_ref=chunk_ref):
            m1s, m2s = carry
            n1, n2 = [], []
            for a in range(ACC):
                x = chunk_ref[pl.ds((i * ACC + a) * L, L)]
                n1.append(jnp.maximum(m1s[a], x))
                n2.append(jnp.maximum(m2s[a], jnp.minimum(m1s[a], x)))
            return tuple(n1), tuple(n2)

        m1l, m2l = _chunk_loop

        if g % CHUNKS_PER_ROW == CHUNKS_PER_ROW - 1:
            j = g // CHUNKS_PER_ROW
            p1, p2 = list(m1l), list(m2l)
            while len(p1) > 1:
                n1, n2 = [], []
                for a in range(0, len(p1), 2):
                    c1, c2 = _combine(p1[a], p2[a], p1[a + 1], p2[a + 1])
                    n1.append(c1)
                    n2.append(c2)
                p1, p2 = n1, n2
            m1, m2 = p1[0], p2[0]

            s1v = _bcast_max(m1)
            maskv = m1 == s1v
            cntv = plsc.all_reduce_population_count(maskv)
            t = jnp.where(maskv, m2, m1)
            s2v = jnp.where(cntv >= 2, s1v, _bcast_max(t))

            lane = lax.iota(jnp.int32, L)
            res = jnp.where(lane == j, s1v, res)
            res = jnp.where(lane == ROWS_PER_W + j, s2v, res)

    res_v[...] = res
    pltpu.sync_copy(res_v, out_hbm.at[wid])


TC_CHUNK = 1024


def _tc_top2_pair(x_ref, ncols):
    neg = jnp.full((TC_BLK, TC_CHUNK), -jnp.inf, jnp.float32)

    def step(c, carry):
        m1, m2 = carry
        x = x_ref[:, pl.ds(c * TC_CHUNK, TC_CHUNK)]
        n1 = jnp.maximum(m1, x)
        n2 = jnp.maximum(m2, jnp.minimum(m1, x))
        return n1, n2

    m1, m2 = lax.fori_loop(0, ncols // TC_CHUNK, step, (neg, neg))
    s1 = jnp.max(m1, axis=1, keepdims=True)
    eq = m1 == s1
    cnt = jnp.sum(eq.astype(jnp.float32), axis=1, keepdims=True)
    t = jnp.where(eq, m2, m1)
    s2raw = jnp.max(t, axis=1, keepdims=True)
    s2 = jnp.where(cnt >= 2.0, s1, s2raw)
    return s1, s2


def _top2_margin_tc_body(x_ref, x2_ref, o_ref, o2_ref):
    s1, s2 = _tc_top2_pair(x_ref, N)
    o_ref[...] = jnp.broadcast_to(s1 - s2, (TC_BLK, 128))

    p1, p2 = _tc_top2_pair(x2_ref, N - SC_COLS)
    ci = lax.broadcasted_iota(jnp.int32, (TC_BLK, 128), 1)
    o2_ref[...] = jnp.where(ci == 0, p1, jnp.where(ci == 1, p2, 0.0))


_tc_call = pl.pallas_call(
    _top2_margin_tc_body,
    grid=(TC_ROWS // TC_BLK,),
    in_specs=[
        pl.BlockSpec((TC_BLK, N), lambda i: (i + SC_ROWS // TC_BLK, 0)),
        pl.BlockSpec((TC_BLK, N - SC_COLS),
                     lambda i: (i, SC_COLS // (N - SC_COLS))),
    ],
    out_specs=[
        pl.BlockSpec((TC_BLK, 128), lambda i: (i, 0)),
        pl.BlockSpec((TC_BLK, 128), lambda i: (i, 0)),
    ],
    out_shape=[
        jax.ShapeDtypeStruct((TC_ROWS, 128), jnp.float32),
        jax.ShapeDtypeStruct((SC_ROWS, 128), jnp.float32),
    ],
)


def kernel(logits):
    sc = _top2_margin_sc(logits)
    tc, tc2 = _tc_call(logits, logits)
    a1 = sc[:, :ROWS_PER_W].reshape(SC_ROWS)
    a2 = sc[:, ROWS_PER_W:2 * ROWS_PER_W].reshape(SC_ROWS)
    b1 = tc2[:, 0]
    b2 = tc2[:, 1]
    hi = jnp.maximum(a1, b1)
    lo = jnp.maximum(jnp.minimum(a1, b1), jnp.maximum(a2, b2))
    return jnp.concatenate([hi - lo, tc[:, 0]])

# --- scband reference (transcript-rebuilt; emitter-appended) ---
"""Pipeline reference for scband-rlconf-mselector-2929167696585 (READ-ONLY COPY).

The authoritative reference and input builder live on the scoring server;
editing this copy changes nothing except your own understanding.
"""

import jax, jax.numpy as jnp
import numpy as np

def setup_inputs(seed: int = 0) -> dict:
    key = jax.random.key(seed)
    logits = jax.random.normal(key, (128, 32768), dtype=jnp.float32)
    return {"logits": logits}

def reference(logits):
    # Faithful translation: full descending sort along dim=1, then margin between top-2
    sorted_logits = jnp.sort(logits, axis=1)[:, ::-1]
    return sorted_logits[:, 0] - sorted_logits[:, 1]

if __name__ == "__main__":
    import jax
    _d = setup_inputs()
    print(jax.jit(kernel)(*tuple(_d.values())))

</pallas_src>

<mosaic_0001>
#map = affine_map<(d0, d1) -> (0, 0)>
module attributes {stable_mosaic.version = 14 : i64} {
  func.func @_top2_margin_sc(%arg0: i32, %arg1: i32, %arg2: memref<128x32768xf32, #tpu.memory_space<hbm>>, %arg3: memref<32x16xf32, #tpu.memory_space<hbm>>, %arg4: memref<8192xf32, #tpu.memory_space<vmem>>, %arg5: memref<8192xf32, #tpu.memory_space<vmem>>, %arg6: memref<8192xf32, #tpu.memory_space<vmem>>, %arg7: memref<16xf32, #tpu.memory_space<vmem>>, %arg8: memref<!tpu.dma_semaphore, #tpu.memory_space<semaphore_mem>>, %arg9: memref<!tpu.dma_semaphore, #tpu.memory_space<semaphore_mem>>, %arg10: memref<!tpu.dma_semaphore, #tpu.memory_space<semaphore_mem>>) attributes {dimension_semantics = [#tpu.dimension_semantics<core_parallel>, #tpu.dimension_semantics<subcore_parallel>], iteration_bounds = array<i64: 2, 16>, scalar_prefetch = 0 : i64, scratch_operands = 7 : i64, tpu.core_type = #tpu.core_type<sc_vector_subcore>, window_params = [{transform_indices = #map}, {transform_indices = #map}]} {
    %mul3A = arith.constant 16 : i32
    %mul3A_0 = arith.muli %arg0, %mul3A : i32
    %add3A = arith.addi %mul3A_0, %arg1 : i32
    %mul3A_1 = arith.constant 2 : i32
    %mul3A_2 = arith.muli %add3A, %mul3A_1 : i32
    %add3A_3 = arith.constant 0 : i32
    %add3A_4 = arith.addi %mul3A_2, %add3A_3 : i32
    %dma_start3A = arith.constant 0 : i32
    %dma_start3A_5 = tpu.memref_slice %arg2[%add3A_4, %dma_start3A] : memref<128x32768xf32, #tpu.memory_space<hbm>> -> memref<1x32768xf32, #tpu.memory_space<hbm>>
    %dma_start3A_6 = tpu.memref_squeeze %dma_start3A_5 : memref<1x32768xf32, #tpu.memory_space<hbm>> -> memref<32768xf32, #tpu.memory_space<hbm>>
    %dma_start3A_7 = arith.constant 0 : i32
    %dma_start3A_8 = tpu.memref_slice %dma_start3A_6[%dma_start3A_7] : memref<32768xf32, #tpu.memory_space<hbm>> -> memref<8192xf32, #tpu.memory_space<hbm>>
    %dma_start3A_9 = arith.constant 0 : i32
    %dma_start3A_10 = tpu.memref_slice %arg2[%add3A_4, %dma_start3A_9] : memref<128x32768xf32, #tpu.memory_space<hbm>> -> memref<1x32768xf32, #tpu.memory_space<hbm>>
    %dma_start3A_11 = tpu.memref_squeeze %dma_start3A_10 : memref<1x32768xf32, #tpu.memory_space<hbm>> -> memref<32768xf32, #tpu.memory_space<hbm>>
    %dma_start3A_12 = arith.constant 0 : i32
    %dma_start3A_13 = tpu.memref_slice %dma_start3A_11[%dma_start3A_12] : memref<32768xf32, #tpu.memory_space<hbm>> -> memref<8192xf32, #tpu.memory_space<hbm>>
    tpu.enqueue_dma source(%dma_start3A_13 : memref<8192xf32, #tpu.memory_space<hbm>>) target(%arg4 : memref<8192xf32, #tpu.memory_space<vmem>>) target_semaphore(%arg8 : memref<!tpu.dma_semaphore, #tpu.memory_space<semaphore_mem>>)
    %add3A_14 = arith.constant 0 : i32
    %add3A_15 = arith.addi %mul3A_2, %add3A_14 : i32
    %dma_start3A_16 = arith.constant 0 : i32
    %dma_start3A_17 = tpu.memref_slice %arg2[%add3A_15, %dma_start3A_16] : memref<128x32768xf32, #tpu.memory_space<hbm>> -> memref<1x32768xf32, #tpu.memory_space<hbm>>
    %dma_start3A_18 = tpu.memref_squeeze %dma_start3A_17 : memref<1x32768xf32, #tpu.memory_space<hbm>> -> memref<32768xf32, #tpu.memory_space<hbm>>
    %dma_start3A_19 = arith.constant 8192 : i32
    %dma_start3A_20 = tpu.memref_slice %dma_start3A_18[%dma_start3A_19] : memref<32768xf32, #tpu.memory_space<hbm>> -> memref<8192xf32, #tpu.memory_space<hbm>>
    %dma_start3A_21 = arith.constant 0 : i32
    %dma_start3A_22 = tpu.memref_slice %arg2[%add3A_15, %dma_start3A_21] : memref<128x32768xf32, #tpu.memory_space<hbm>> -> memref<1x32768xf32, #tpu.memory_space<hbm>>
    %dma_start3A_23 = tpu.memref_squeeze %dma_start3A_22 : memref<1x32768xf32, #tpu.memory_space<hbm>> -> memref<32768xf32, #tpu.memory_space<hbm>>
    %dma_start3A_24 = arith.constant 8192 : i32
    %dma_start3A_25 = tpu.memref_slice %dma_start3A_23[%dma_start3A_24] : memref<32768xf32, #tpu.memory_space<hbm>> -> memref<8192xf32, #tpu.memory_space<hbm>>
    tpu.enqueue_dma source(%dma_start3A_25 : memref<8192xf32, #tpu.memory_space<hbm>>) target(%arg5 : memref<8192xf32, #tpu.memory_space<vmem>>) target_semaphore(%arg9 : memref<!tpu.dma_semaphore, #tpu.memory_space<semaphore_mem>>)
    %broadcast_in_dim3A = arith.constant 0.000000e+00 : f32
    %broadcast_in_dim3A_26 = vector.broadcast %broadcast_in_dim3A : f32 to vector<16xf32>
    %broadcast_in_dim3A_27 = arith.constant 0xFF800000 : f32
    %broadcast_in_dim3A_28 = vector.broadcast %broadcast_in_dim3A_27 : f32 to vector<16xf32>
    %add3A_29 = arith.constant 0 : i32
    %add3A_30 = arith.addi %mul3A_2, %add3A_29 : i32
    %dma_start3A_31 = arith.constant 0 : i32
    %dma_start3A_32 = tpu.memref_slice %arg2[%add3A_30, %dma_start3A_31] : memref<128x32768xf32, #tpu.memory_space<hbm>> -> memref<1x32768xf32, #tpu.memory_space<hbm>>
    %dma_start3A_33 = tpu.memref_squeeze %dma_start3A_32 : memref<1x32768xf32, #tpu.memory_space<hbm>> -> memref<32768xf32, #tpu.memory_space<hbm>>
    %dma_start3A_34 = arith.constant 16384 : i32
    %dma_start3A_35 = tpu.memref_slice %dma_start3A_33[%dma_start3A_34] : memref<32768xf32, #tpu.memory_space<hbm>> -> memref<8192xf32, #tpu.memory_space<hbm>>
    %dma_start3A_36 = arith.constant 0 : i32
    %dma_start3A_37 = tpu.memref_slice %arg2[%add3A_30, %dma_start3A_36] : memref<128x32768xf32, #tpu.memory_space<hbm>> -> memref<1x32768xf32, #tpu.memory_space<hbm>>
    %dma_start3A_38 = tpu.memref_squeeze %dma_start3A_37 : memref<1x32768xf32, #tpu.memory_space<hbm>> -> memref<32768xf32, #tpu.memory_space<hbm>>
    %dma_start3A_39 = arith.constant 16384 : i32
    %dma_start3A_40 = tpu.memref_slice %dma_start3A_38[%dma_start3A_39] : memref<32768xf32, #tpu.memory_space<hbm>> -> memref<8192xf32, #tpu.memory_space<hbm>>
    tpu.enqueue_dma source(%dma_start3A_40 : memref<8192xf32, #tpu.memory_space<hbm>>) target(%arg6 : memref<8192xf32, #tpu.memory_space<vmem>>) target_semaphore(%arg10 : memref<!tpu.dma_semaphore, #tpu.memory_space<semaphore_mem>>)
    %dma_wait3A = arith.constant 0 : i32
    %dma_wait3A_41 = tpu.memref_slice %arg2[%add3A_4, %dma_wait3A] : memref<128x32768xf32, #tpu.memory_space<hbm>> -> memref<1x32768xf32, #tpu.memory_space<hbm>>
    %dma_wait3A_42 = tpu.memref_squeeze %dma_wait3A_41 : memref<1x32768xf32, #tpu.memory_space<hbm>> -> memref<32768xf32, #tpu.memory_space<hbm>>
    %dma_wait3A_43 = arith.constant 0 : i32
    %dma_wait3A_44 = tpu.memref_slice %dma_wait3A_42[%dma_wait3A_43] : memref<32768xf32, #tpu.memory_space<hbm>> -> memref<8192xf32, #tpu.memory_space<hbm>>
    %dma_wait3A_45 = arith.constant 0 : i32
    %dma_wait3A_46 = tpu.memref_slice %arg2[%add3A_4, %dma_wait3A_45] : memref<128x32768xf32, #tpu.memory_space<hbm>> -> memref<1x32768xf32, #tpu.memory_space<hbm>>
    %dma_wait3A_47 = tpu.memref_squeeze %dma_wait3A_46 : memref<1x32768xf32, #tpu.memory_space<hbm>> -> memref<32768xf32, #tpu.memory_space<hbm>>
    %dma_wait3A_48 = arith.constant 0 : i32
    %dma_wait3A_49 = tpu.memref_slice %dma_wait3A_47[%dma_wait3A_48] : memref<32768xf32, #tpu.memory_space<hbm>> -> memref<8192xf32, #tpu.memory_space<hbm>>
    tpu.wait_dma2 semaphore(%arg8 : memref<!tpu.dma_semaphore, #tpu.memory_space<semaphore_mem>>) src(%dma_wait3A_49 : memref<8192xf32, #tpu.memory_space<hbm>>) dst(%arg4 : memref<8192xf32, #tpu.memory_space<vmem>>)
    %parallel_loop3A = arith.constant 0 : i32
    %parallel_loop3A_50 = arith.constant 64 : i32
    %parallel_loop3A_51 = arith.constant 1 : i32
    %parallel_loop3A_52:16 = scf.for %parallel_loop3A_307 = %parallel_loop3A to %parallel_loop3A_50 step %parallel_loop3A_51 iter_args(%parallel_loop3A_308 = %broadcast_in_dim3A_28, %parallel_loop3A_309 = %broadcast_in_dim3A_28, %parallel_loop3A_310 = %broadcast_in_dim3A_28, %parallel_loop3A_311 = %broadcast_in_dim3A_28, %parallel_loop3A_312 = %broadcast_in_dim3A_28, %parallel_loop3A_313 = %broadcast_in_dim3A_28, %parallel_loop3A_314 = %broadcast_in_dim3A_28, %parallel_loop3A_315 = %broadcast_in_dim3A_28, %parallel_loop3A_316 = %broadcast_in_dim3A_28, %parallel_loop3A_317 = %broadcast_in_dim3A_28, %parallel_loop3A_318 = %broadcast_in_dim3A_28, %parallel_loop3A_319 = %broadcast_in_dim3A_28, %parallel_loop3A_320 = %broadcast_in_dim3A_28, %parallel_loop3A_321 = %broadcast_in_dim3A_28, %parallel_loop3A_322 = %broadcast_in_dim3A_28, %parallel_loop3A_323 = %broadcast_in_dim3A_28) -> (vector<16xf32>, vector<16xf32>, vector<16xf32>, vector<16xf32>, vector<16xf32>, vector<16xf32>, vector<16xf32>, vector<16xf32>, vector<16xf32>, vector<16xf32>, vector<16xf32>, vector<16xf32>, vector<16xf32>, vector<16xf32>, vector<16xf32>, vector<16xf32>)  : i32 {
      %parallel_loop3A_324 = arith.constant 8 : i32
      %parallel_loop3A_325 = arith.muli %parallel_loop3A_307, %parallel_loop3A_324 : i32
      %parallel_loop3A_326 = arith.constant 0 : i32
      %parallel_loop3A_327 = arith.addi %parallel_loop3A_325, %parallel_loop3A_326 : i32
      %parallel_loop3A_328 = arith.constant 16 : i32
      %parallel_loop3A_329 = arith.muli %parallel_loop3A_327, %parallel_loop3A_328 : i32
      %parallel_loop3A_330 = arith.index_cast %parallel_loop3A_329 : i32 to index
      %parallel_loop3A_331 = tpu.vector_load %arg4[%parallel_loop3A_330] {strides = array<i32>} : memref<8192xf32, #tpu.memory_space<vmem>>, vector<16xf32>,
      %parallel_loop3A_332 = arith.maximumf %parallel_loop3A_308, %parallel_loop3A_331 : vector<16xf32>
      %parallel_loop3A_333 = arith.minimumf %parallel_loop3A_308, %parallel_loop3A_331 : vector<16xf32>
      %parallel_loop3A_334 = arith.maximumf %parallel_loop3A_316, %parallel_loop3A_333 : vector<16xf32>
      %parallel_loop3A_335 = arith.constant 8 : i32
      %parallel_loop3A_336 = arith.muli %parallel_loop3A_307, %parallel_loop3A_335 : i32
      %parallel_loop3A_337 = arith.constant 1 : i32
      %parallel_loop3A_338 = arith.addi %parallel_loop3A_336, %parallel_loop3A_337 : i32
      %parallel_loop3A_339 = arith.constant 16 : i32
      %parallel_loop3A_340 = arith.muli %parallel_loop3A_338, %parallel_loop3A_339 : i32
      %parallel_loop3A_341 = arith.index_cast %parallel_loop3A_340 : i32 to index
      %parallel_loop3A_342 = tpu.vector_load %arg4[%parallel_loop3A_341] {strides = array<i32>} : memref<8192xf32, #tpu.memory_space<vmem>>, vector<16xf32>,
      %parallel_loop3A_343 = arith.maximumf %parallel_loop3A_309, %parallel_loop3A_342 : vector<16xf32>
      %parallel_loop3A_344 = arith.minimumf %parallel_loop3A_309, %parallel_loop3A_342 : vector<16xf32>
      %parallel_loop3A_345 = arith.maximumf %parallel_loop3A_317, %parallel_loop3A_344 : vector<16xf32>
      %parallel_loop3A_346 = arith.constant 8 : i32
      %parallel_loop3A_347 = arith.muli %parallel_loop3A_307, %parallel_loop3A_346 : i32
      %parallel_loop3A_348 = arith.constant 2 : i32
      %parallel_loop3A_349 = arith.addi %parallel_loop3A_347, %parallel_loop3A_348 : i32
      %parallel_loop3A_350 = arith.constant 16 : i32
      %parallel_loop3A_351 = arith.muli %parallel_loop3A_349, %parallel_loop3A_350 : i32
      %parallel_loop3A_352 = arith.index_cast %parallel_loop3A_351 : i32 to index
      %parallel_loop3A_353 = tpu.vector_load %arg4[%parallel_loop3A_352] {strides = array<i32>} : memref<8192xf32, #tpu.memory_space<vmem>>, vector<16xf32>,
      %parallel_loop3A_354 = arith.maximumf %parallel_loop3A_310, %parallel_loop3A_353 : vector<16xf32>
      %parallel_loop3A_355 = arith.minimumf %parallel_loop3A_310, %parallel_loop3A_353 : vector<16xf32>
      %parallel_loop3A_356 = arith.maximumf %parallel_loop3A_318, %parallel_loop3A_355 : vector<16xf32>
      %parallel_loop3A_357 = arith.constant 8 : i32
      %parallel_loop3A_358 = arith.muli %parallel_loop3A_307, %parallel_loop3A_357 : i32
      %parallel_loop3A_359 = arith.constant 3 : i32
      %parallel_loop3A_360 = arith.addi %parallel_loop3A_358, %parallel_loop3A_359 : i32
      %parallel_loop3A_361 = arith.constant 16 : i32
      %parallel_loop3A_362 = arith.muli %parallel_loop3A_360, %parallel_loop3A_361 : i32
      %parallel_loop3A_363 = arith.index_cast %parallel_loop3A_362 : i32 to index
      %parallel_loop3A_364 = tpu.vector_load %arg4[%parallel_loop3A_363] {strides = array<i32>} : memref<8192xf32, #tpu.memory_space<vmem>>, vector<16xf32>,
      %parallel_loop3A_365 = arith.maximumf %parallel_loop3A_311, %parallel_loop3A_364 : vector<16xf32>
      %parallel_loop3A_366 = arith.minimumf %parallel_loop3A_311, %parallel_loop3A_364 : vector<16xf32>
      %parallel_loop3A_367 = arith.maximumf %parallel_loop3A_319, %parallel_loop3A_366 : vector<16xf32>
      %parallel_loop3A_368 = arith.constant 8 : i32
      %parallel_loop3A_369 = arith.muli %parallel_loop3A_307, %parallel_loop3A_368 : i32
      %parallel_loop3A_370 = arith.constant 4 : i32
      %parallel_loop3A_371 = arith.addi %parallel_loop3A_369, %parallel_loop3A_370 : i32
      %parallel_loop3A_372 = arith.constant 16 : i32
      %parallel_loop3A_373 = arith.muli %parallel_loop3A_371, %parallel_loop3A_372 : i32
      %parallel_loop3A_374 = arith.index_cast %parallel_loop3A_373 : i32 to index
      %parallel_loop3A_375 = tpu.vector_load %arg4[%parallel_loop3A_374] {strides = array<i32>} : memref<8192xf32, #tpu.memory_space<vmem>>, vector<16xf32>,
      %parallel_loop3A_376 = arith.maximumf %parallel_loop3A_312, %parallel_loop3A_375 : vector<16xf32>
      %parallel_loop3A_377 = arith.minimumf %parallel_loop3A_312, %parallel_loop3A_375 : vector<16xf32>
      %parallel_loop3A_378 = arith.maximumf %parallel_loop3A_320, %parallel_loop3A_377 : vector<16xf32>
      %parallel_loop3A_379 = arith.constant 8 : i32
      %parallel_loop3A_380 = arith.muli %parallel_loop3A_307, %parallel_loop3A_379 : i32
      %parallel_loop3A_381 = arith.constant 5 : i32
      %parallel_loop3A_382 = arith.addi %parallel_loop3A_380, %parallel_loop3A_381 : i32
      %parallel_loop3A_383 = arith.constant 16 : i32
      %parallel_loop3A_384 = arith.muli %parallel_loop3A_382, %parallel_loop3A_383 : i32
      %parallel_loop3A_385 = arith.index_cast %parallel_loop3A_384 : i32 to index
      %parallel_loop3A_386 = tpu.vector_load %arg4[%parallel_loop3A_385] {strides = array<i32>} : memref<8192xf32, #tpu.memory_space<vmem>>, vector<16xf32>,
      %parallel_loop3A_387 = arith.maximumf %parallel_loop3A_313, %parallel_loop3A_386 : vector<16xf32>
      %parallel_loop3A_388 = arith.minimumf %parallel_loop3A_313, %parallel_loop3A_386 : vector<16xf32>
      %parallel_loop3A_389 = arith.maximumf %parallel_loop3A_321, %parallel_loop3A_388 : vector<16xf32>
      %parallel_loop3A_390 = arith.constant 8 : i32
      %parallel_loop3A_391 = arith.muli %parallel_loop3A_307, %parallel_loop3A_390 : i32
      %parallel_loop3A_392 = arith.constant 6 : i32
      %parallel_loop3A_393 = arith.addi %parallel_loop3A_391, %parallel_loop3A_392 : i32
      %parallel_loop3A_394 = arith.constant 16 : i32
      %parallel_loop3A_395 = arith.muli %parallel_loop3A_393, %parallel_loop3A_394 : i32
      %parallel_loop3A_396 = arith.index_cast %parallel_loop3A_395 : i32 to index
      %parallel_loop3A_397 = tpu.vector_load %arg4[%parallel_loop3A_396] {strides = array<i32>} : memref<8192xf32, #tpu.memory_space<vmem>>, vector<16xf32>,
      %parallel_loop3A_398 = arith.maximumf %parallel_loop3A_314, %parallel_loop3A_397 : vector<16xf32>
      %parallel_loop3A_399 = arith.minimumf %parallel_loop3A_314, %parallel_loop3A_397 : vector<16xf32>
      %parallel_loop3A_400 = arith.maximumf %parallel_loop3A_322, %parallel_loop3A_399 : vector<16xf32>
      %parallel_loop3A_401 = arith.constant 8 : i32
      %parallel_loop3A_402 = arith.muli %parallel_loop3A_307, %parallel_loop3A_401 : i32
      %parallel_loop3A_403 = arith.constant 7 : i32
      %parallel_loop3A_404 = arith.addi %parallel_loop3A_402, %parallel_loop3A_403 : i32
      %parallel_loop3A_405 = arith.constant 16 : i32
      %parallel_loop3A_406 = arith.muli %parallel_loop3A_404, %parallel_loop3A_405 : i32
      %parallel_loop3A_407 = arith.index_cast %parallel_loop3A_406 : i32 to index
      %parallel_loop3A_408 = tpu.vector_load %arg4[%parallel_loop3A_407] {strides = array<i32>} : memref<8192xf32, #tpu.memory_space<vmem>>, vector<16xf32>,
      %parallel_loop3A_409 = arith.maximumf %parallel_loop3A_315, %parallel_loop3A_408 : vector<16xf32>
      %parallel_loop3A_410 = arith.minimumf %parallel_loop3A_315, %parallel_loop3A_408 : vector<16xf32>
      %parallel_loop3A_411 = arith.maximumf %parallel_loop3A_323, %parallel_loop3A_410 : vector<16xf32>
      scf.yield %parallel_loop3A_332, %parallel_loop3A_343, %parallel_loop3A_354, %parallel_loop3A_365, %parallel_loop3A_376, %parallel_loop3A_387, %parallel_loop3A_398, %parallel_loop3A_409, %parallel_loop3A_334, %parallel_loop3A_345, %parallel_loop3A_356, %parallel_loop3A_367, %parallel_loop3A_378, %parallel_loop3A_389, %parallel_loop3A_400, %parallel_loop3A_411 : vector<16xf32>, vector<16xf32>, vector<16xf32>, vector<16xf32>, vector<16xf32>, vector<16xf32>, vector<16xf32>, vector<16xf32>, vector<16xf32>, vector<16xf32>, vector<16xf32>, vector<16xf32>, vector<16xf32>, vector<16xf32>, vector<16xf32>, vector<16xf32>
    } {sc.loop_unroll_factor = 2 : i64, sc.parallel_access}
    %add3A_53 = arith.constant 1 : i32
    %add3A_54 = arith.addi %mul3A_2, %add3A_53 : i32
    %dma_start3A_55 = arith.constant 0 : i32
    %dma_start3A_56 = tpu.memref_slice %arg2[%add3A_54, %dma_start3A_55] : memref<128x32768xf32, #tpu.memory_space<hbm>> -> memref<1x32768xf32, #tpu.memory_space<hbm>>
    %dma_start3A_57 = tpu.memref_squeeze %dma_start3A_56 : memref<1x32768xf32, #tpu.memory_space<hbm>> -> memref<32768xf32, #tpu.memory_space<hbm>>
    %dma_start3A_58 = arith.constant 0 : i32
    %dma_start3A_59 = tpu.memref_slice %dma_start3A_57[%dma_start3A_58] : memref<32768xf32, #tpu.memory_space<hbm>> -> memref<8192xf32, #tpu.memory_space<hbm>>
    %dma_start3A_60 = arith.constant 0 : i32
    %dma_start3A_61 = tpu.memref_slice %arg2[%add3A_54, %dma_start3A_60] : memref<128x32768xf32, #tpu.memory_space<hbm>> -> memref<1x32768xf32, #tpu.memory_space<hbm>>
    %dma_start3A_62 = tpu.memref_squeeze %dma_start3A_61 : memref<1x32768xf32, #tpu.memory_space<hbm>> -> memref<32768xf32, #tpu.memory_space<hbm>>
    %dma_start3A_63 = arith.constant 0 : i32
    %dma_start3A_64 = tpu.memref_slice %dma_start3A_62[%dma_start3A_63] : memref<32768xf32, #tpu.memory_space<hbm>> -> memref<8192xf32, #tpu.memory_space<hbm>>
    tpu.enqueue_dma source(%dma_start3A_64 : memref<8192xf32, #tpu.memory_space<hbm>>) target(%arg4 : memref<8192xf32, #tpu.memory_space<vmem>>) target_semaphore(%arg8 : memref<!tpu.dma_semaphore, #tpu.memory_space<semaphore_mem>>)
    %dma_wait3A_65 = arith.constant 0 : i32
    %dma_wait3A_66 = tpu.memref_slice %arg2[%add3A_15, %dma_wait3A_65] : memref<128x32768xf32, #tpu.memory_space<hbm>> -> memref<1x32768xf32, #tpu.memory_space<hbm>>
    %dma_wait3A_67 = tpu.memref_squeeze %dma_wait3A_66 : memref<1x32768xf32, #tpu.memory_space<hbm>> -> memref<32768xf32, #tpu.memory_space<hbm>>
    %dma_wait3A_68 = arith.constant 8192 : i32
    %dma_wait3A_69 = tpu.memref_slice %dma_wait3A_67[%dma_wait3A_68] : memref<32768xf32, #tpu.memory_space<hbm>> -> memref<8192xf32, #tpu.memory_space<hbm>>
    %dma_wait3A_70 = arith.constant 0 : i32
    %dma_wait3A_71 = tpu.memref_slice %arg2[%add3A_15, %dma_wait3A_70] : memref<128x32768xf32, #tpu.memory_space<hbm>> -> memref<1x32768xf32, #tpu.memory_space<hbm>>
    %dma_wait3A_72 = tpu.memref_squeeze %dma_wait3A_71 : memref<1x32768xf32, #tpu.memory_space<hbm>> -> memref<32768xf32, #tpu.memory_space<hbm>>
    %dma_wait3A_73 = arith.constant 8192 : i32
    %dma_wait3A_74 = tpu.memref_slice %dma_wait3A_72[%dma_wait3A_73] : memref<32768xf32, #tpu.memory_space<hbm>> -> memref<8192xf32, #tpu.memory_space<hbm>>
    tpu.wait_dma2 semaphore(%arg9 : memref<!tpu.dma_semaphore, #tpu.memory_space<semaphore_mem>>) src(%dma_wait3A_74 : memref<8192xf32, #tpu.memory_space<hbm>>) dst(%arg5 : memref<8192xf32, #tpu.memory_space<vmem>>)
    %parallel_loop3A_75 = arith.constant 0 : i32
    %parallel_loop3A_76 = arith.constant 64 : i32
    %parallel_loop3A_77 = arith.constant 1 : i32
    %parallel_loop3A_78:16 = scf.for %parallel_loop3A_307 = %parallel_loop3A_75 to %parallel_loop3A_76 step %parallel_loop3A_77 iter_args(%parallel_loop3A_308 = %parallel_loop3A_52#0, %parallel_loop3A_309 = %parallel_loop3A_52#1, %parallel_loop3A_310 = %parallel_loop3A_52#2, %parallel_loop3A_311 = %parallel_loop3A_52#3, %parallel_loop3A_312 = %parallel_loop3A_52#4, %parallel_loop3A_313 = %parallel_loop3A_52#5, %parallel_loop3A_314 = %parallel_loop3A_52#6, %parallel_loop3A_315 = %parallel_loop3A_52#7, %parallel_loop3A_316 = %parallel_loop3A_52#8, %parallel_loop3A_317 = %parallel_loop3A_52#9, %parallel_loop3A_318 = %parallel_loop3A_52#10, %parallel_loop3A_319 = %parallel_loop3A_52#11, %parallel_loop3A_320 = %parallel_loop3A_52#12, %parallel_loop3A_321 = %parallel_loop3A_52#13, %parallel_loop3A_322 = %parallel_loop3A_52#14, %parallel_loop3A_323 = %parallel_loop3A_52#15) -> (vector<16xf32>, vector<16xf32>, vector<16xf32>, vector<16xf32>, vector<16xf32>, vector<16xf32>, vector<16xf32>, vector<16xf32>, vector<16xf32>, vector<16xf32>, vector<16xf32>, vector<16xf32>, vector<16xf32>, vector<16xf32>, vector<16xf32>, vector<16xf32>)  : i32 {
      %parallel_loop3A_324 = arith.constant 8 : i32
      %parallel_loop3A_325 = arith.muli %parallel_loop3A_307, %parallel_loop3A_324 : i32
      %parallel_loop3A_326 = arith.constant 0 : i32
      %parallel_loop3A_327 = arith.addi %parallel_loop3A_325, %parallel_loop3A_326 : i32
      %parallel_loop3A_328 = arith.constant 16 : i32
      %parallel_loop3A_329 = arith.muli %parallel_loop3A_327, %parallel_loop3A_328 : i32
      %parallel_loop3A_330 = arith.index_cast %parallel_loop3A_329 : i32 to index
      %parallel_loop3A_331 = tpu.vector_load %arg5[%parallel_loop3A_330] {strides = array<i32>} : memref<8192xf32, #tpu.memory_space<vmem>>, vector<16xf32>,
      %parallel_loop3A_332 = arith.maximumf %parallel_loop3A_308, %parallel_loop3A_331 : vector<16xf32>
      %parallel_loop3A_333 = arith.minimumf %parallel_loop3A_308, %parallel_loop3A_331 : vector<16xf32>
      %parallel_loop3A_334 = arith.maximumf %parallel_loop3A_316, %parallel_loop3A_333 : vector<16xf32>
      %parallel_loop3A_335 = arith.constant 8 : i32
      %parallel_loop3A_336 = arith.muli %parallel_loop3A_307, %parallel_loop3A_335 : i32
      %parallel_loop3A_337 = arith.constant 1 : i32
      %parallel_loop3A_338 = arith.addi %parallel_loop3A_336, %parallel_loop3A_337 : i32
      %parallel_loop3A_339 = arith.constant 16 : i32
      %parallel_loop3A_340 = arith.muli %parallel_loop3A_338, %parallel_loop3A_339 : i32
      %parallel_loop3A_341 = arith.index_cast %parallel_loop3A_340 : i32 to index
      %parallel_loop3A_342 = tpu.vector_load %arg5[%parallel_loop3A_341] {strides = array<i32>} : memref<8192xf32, #tpu.memory_space<vmem>>, vector<16xf32>,
      %parallel_loop3A_343 = arith.maximumf %parallel_loop3A_309, %parallel_loop3A_342 : vector<16xf32>
      %parallel_loop3A_344 = arith.minimumf %parallel_loop3A_309, %parallel_loop3A_342 : vector<16xf32>
      %parallel_loop3A_345 = arith.maximumf %parallel_loop3A_317, %parallel_loop3A_344 : vector<16xf32>
      %parallel_loop3A_346 = arith.constant 8 : i32
      %parallel_loop3A_347 = arith.muli %parallel_loop3A_307, %parallel_loop3A_346 : i32
      %parallel_loop3A_348 = arith.constant 2 : i32
      %parallel_loop3A_349 = arith.addi %parallel_loop3A_347, %parallel_loop3A_348 : i32
      %parallel_loop3A_350 = arith.constant 16 : i32
      %parallel_loop3A_351 = arith.muli %parallel_loop3A_349, %parallel_loop3A_350 : i32
      %parallel_loop3A_352 = arith.index_cast %parallel_loop3A_351 : i32 to index
      %parallel_loop3A_353 = tpu.vector_load %arg5[%parallel_loop3A_352] {strides = array<i32>} : memref<8192xf32, #tpu.memory_space<vmem>>, vector<16xf32>,
      %parallel_loop3A_354 = arith.maximumf %parallel_loop3A_310, %parallel_loop3A_353 : vector<16xf32>
      %parallel_loop3A_355 = arith.minimumf %parallel_loop3A_310, %parallel_loop3A_353 : vector<16xf32>
      %parallel_loop3A_356 = arith.maximumf %parallel_loop3A_318, %parallel_loop3A_355 : vector<16xf32>
      %parallel_loop3A_357 = arith.constant 8 : i32
      %parallel_loop3A_358 = arith.muli %parallel_loop3A_307, %parallel_loop3A_357 : i32
      %parallel_loop3A_359 = arith.constant 3 : i32
      %parallel_loop3A_360 = arith.addi %parallel_loop3A_358, %parallel_loop3A_359 : i32
      %parallel_loop3A_361 = arith.constant 16 : i32
      %parallel_loop3A_362 = arith.muli %parallel_loop3A_360, %parallel_loop3A_361 : i32
      %parallel_loop3A_363 = arith.index_cast %parallel_loop3A_362 : i32 to index
      %parallel_loop3A_364 = tpu.vector_load %arg5[%parallel_loop3A_363] {strides = array<i32>} : memref<8192xf32, #tpu.memory_space<vmem>>, vector<16xf32>,
      %parallel_loop3A_365 = arith.maximumf %parallel_loop3A_311, %parallel_loop3A_364 : vector<16xf32>
      %parallel_loop3A_366 = arith.minimumf %parallel_loop3A_311, %parallel_loop3A_364 : vector<16xf32>
      %parallel_loop3A_367 = arith.maximumf %parallel_loop3A_319, %parallel_loop3A_366 : vector<16xf32>
      %parallel_loop3A_368 = arith.constant 8 : i32
      %parallel_loop3A_369 = arith.muli %parallel_loop3A_307, %parallel_loop3A_368 : i32
      %parallel_loop3A_370 = arith.constant 4 : i32
      %parallel_loop3A_371 = arith.addi %parallel_loop3A_369, %parallel_loop3A_370 : i32
      %parallel_loop3A_372 = arith.constant 16 : i32
      %parallel_loop3A_373 = arith.muli %parallel_loop3A_371, %parallel_loop3A_372 : i32
      %parallel_loop3A_374 = arith.index_cast %parallel_loop3A_373 : i32 to index
      %parallel_loop3A_375 = tpu.vector_load %arg5[%parallel_loop3A_374] {strides = array<i32>} : memref<8192xf32, #tpu.memory_space<vmem>>, vector<16xf32>,
      %parallel_loop3A_376 = arith.maximumf %parallel_loop3A_312, %parallel_loop3A_375 : vector<16xf32>
      %parallel_loop3A_377 = arith.minimumf %parallel_loop3A_312, %parallel_loop3A_375 : vector<16xf32>
      %parallel_loop3A_378 = arith.maximumf %parallel_loop3A_320, %parallel_loop3A_377 : vector<16xf32>
      %parallel_loop3A_379 = arith.constant 8 : i32
      %parallel_loop3A_380 = arith.muli %parallel_loop3A_307, %parallel_loop3A_379 : i32
      %parallel_loop3A_381 = arith.constant 5 : i32
      %parallel_loop3A_382 = arith.addi %parallel_loop3A_380, %parallel_loop3A_381 : i32
      %parallel_loop3A_383 = arith.constant 16 : i32
      %parallel_loop3A_384 = arith.muli %parallel_loop3A_382, %parallel_loop3A_383 : i32
      %parallel_loop3A_385 = arith.index_cast %parallel_loop3A_384 : i32 to index
      %parallel_loop3A_386 = tpu.vector_load %arg5[%parallel_loop3A_385] {strides = array<i32>} : memref<8192xf32, #tpu.memory_space<vmem>>, vector<16xf32>,
      %parallel_loop3A_387 = arith.maximumf %parallel_loop3A_313, %parallel_loop3A_386 : vector<16xf32>
      %parallel_loop3A_388 = arith.minimumf %parallel_loop3A_313, %parallel_loop3A_386 : vector<16xf32>
      %parallel_loop3A_389 = arith.maximumf %parallel_loop3A_321, %parallel_loop3A_388 : vector<16xf32>
      %parallel_loop3A_390 = arith.constant 8 : i32
      %parallel_loop3A_391 = arith.muli %parallel_loop3A_307, %parallel_loop3A_390 : i32
      %parallel_loop3A_392 = arith.constant 6 : i32
      %parallel_loop3A_393 = arith.addi %parallel_loop3A_391, %parallel_loop3A_392 : i32
      %parallel_loop3A_394 = arith.constant 16 : i32
      %parallel_loop3A_395 = arith.muli %parallel_loop3A_393, %parallel_loop3A_394 : i32
      %parallel_loop3A_396 = arith.index_cast %parallel_loop3A_395 : i32 to index
      %parallel_loop3A_397 = tpu.vector_load %arg5[%parallel_loop3A_396] {strides = array<i32>} : memref<8192xf32, #tpu.memory_space<vmem>>, vector<16xf32>,
      %parallel_loop3A_398 = arith.maximumf %parallel_loop3A_314, %parallel_loop3A_397 : vector<16xf32>
      %parallel_loop3A_399 = arith.minimumf %parallel_loop3A_314, %parallel_loop3A_397 : vector<16xf32>
      %parallel_loop3A_400 = arith.maximumf %parallel_loop3A_322, %parallel_loop3A_399 : vector<16xf32>
      %parallel_loop3A_401 = arith.constant 8 : i32
      %parallel_loop3A_402 = arith.muli %parallel_loop3A_307, %parallel_loop3A_401 : i32
      %parallel_loop3A_403 = arith.constant 7 : i32
      %parallel_loop3A_404 = arith.addi %parallel_loop3A_402, %parallel_loop3A_403 : i32
      %parallel_loop3A_405 = arith.constant 16 : i32
      %parallel_loop3A_406 = arith.muli %parallel_loop3A_404, %parallel_loop3A_405 : i32
      %parallel_loop3A_407 = arith.index_cast %parallel_loop3A_406 : i32 to index
      %parallel_loop3A_408 = tpu.vector_load %arg5[%parallel_loop3A_407] {strides = array<i32>} : memref<8192xf32, #tpu.memory_space<vmem>>, vector<16xf32>,
      %parallel_loop3A_409 = arith.maximumf %parallel_loop3A_315, %parallel_loop3A_408 : vector<16xf32>
      %parallel_loop3A_410 = arith.minimumf %parallel_loop3A_315, %parallel_loop3A_408 : vector<16xf32>
      %parallel_loop3A_411 = arith.maximumf %parallel_loop3A_323, %parallel_loop3A_410 : vector<16xf32>
      scf.yield %parallel_loop3A_332, %parallel_loop3A_343, %parallel_loop3A_354, %parallel_loop3A_365, %parallel_loop3A_376, %parallel_loop3A_387, %parallel_loop3A_398, %parallel_loop3A_409, %parallel_loop3A_334, %parallel_loop3A_345, %parallel_loop3A_356, %parallel_loop3A_367, %parallel_loop3A_378, %parallel_loop3A_389, %parallel_loop3A_400, %parallel_loop3A_411 : vector<16xf32>, vector<16xf32>, vector<16xf32>, vector<16xf32>, vector<16xf32>, vector<16xf32>, vector<16xf32>, vector<16xf32>, vector<16xf32>, vector<16xf32>, vector<16xf32>, vector<16xf32>, vector<16xf32>, vector<16xf32>, vector<16xf32>, vector<16xf32>
    } {sc.loop_unroll_factor = 2 : i64, sc.parallel_access}
    %add3A_79 = arith.constant 1 : i32
    %add3A_80 = arith.addi %mul3A_2, %add3A_79 : i32
    %dma_start3A_81 = arith.constant 0 : i32
    %dma_start3A_82 = tpu.memref_slice %arg2[%add3A_80, %dma_start3A_81] : memref<128x32768xf32, #tpu.memory_space<hbm>> -> memref<1x32768xf32, #tpu.memory_space<hbm>>
    %dma_start3A_83 = tpu.memref_squeeze %dma_start3A_82 : memref<1x32768xf32, #tpu.memory_space<hbm>> -> memref<32768xf32, #tpu.memory_space<hbm>>
    %dma_start3A_84 = arith.constant 8192 : i32
    %dma_start3A_85 = tpu.memref_slice %dma_start3A_83[%dma_start3A_84] : memref<32768xf32, #tpu.memory_space<hbm>> -> memref<8192xf32, #tpu.memory_space<hbm>>
    %dma_start3A_86 = arith.constant 0 : i32
    %dma_start3A_87 = tpu.memref_slice %arg2[%add3A_80, %dma_start3A_86] : memref<128x32768xf32, #tpu.memory_space<hbm>> -> memref<1x32768xf32, #tpu.memory_space<hbm>>
    %dma_start3A_88 = tpu.memref_squeeze %dma_start3A_87 : memref<1x32768xf32, #tpu.memory_space<hbm>> -> memref<32768xf32, #tpu.memory_space<hbm>>
    %dma_start3A_89 = arith.constant 8192 : i32
    %dma_start3A_90 = tpu.memref_slice %dma_start3A_88[%dma_start3A_89] : memref<32768xf32, #tpu.memory_space<hbm>> -> memref<8192xf32, #tpu.memory_space<hbm>>
    tpu.enqueue_dma source(%dma_start3A_90 : memref<8192xf32, #tpu.memory_space<hbm>>) target(%arg5 : memref<8192xf32, #tpu.memory_space<vmem>>) target_semaphore(%arg9 : memref<!tpu.dma_semaphore, #tpu.memory_space<semaphore_mem>>)
    %dma_wait3A_91 = arith.constant 0 : i32
    %dma_wait3A_92 = tpu.memref_slice %arg2[%add3A_30, %dma_wait3A_91] : memref<128x32768xf32, #tpu.memory_space<hbm>> -> memref<1x32768xf32, #tpu.memory_space<hbm>>
    %dma_wait3A_93 = tpu.memref_squeeze %dma_wait3A_92 : memref<1x32768xf32, #tpu.memory_space<hbm>> -> memref<32768xf32, #tpu.memory_space<hbm>>
    %dma_wait3A_94 = arith.constant 16384 : i32
    %dma_wait3A_95 = tpu.memref_slice %dma_wait3A_93[%dma_wait3A_94] : memref<32768xf32, #tpu.memory_space<hbm>> -> memref<8192xf32, #tpu.memory_space<hbm>>
    %dma_wait3A_96 = arith.constant 0 : i32
    %dma_wait3A_97 = tpu.memref_slice %arg2[%add3A_30, %dma_wait3A_96] : memref<128x32768xf32, #tpu.memory_space<hbm>> -> memref<1x32768xf32, #tpu.memory_space<hbm>>
    %dma_wait3A_98 = tpu.memref_squeeze %dma_wait3A_97 : memref<1x32768xf32, #tpu.memory_space<hbm>> -> memref<32768xf32, #tpu.memory_space<hbm>>
    %dma_wait3A_99 = arith.constant 16384 : i32
    %dma_wait3A_100 = tpu.memref_slice %dma_wait3A_98[%dma_wait3A_99] : memref<32768xf32, #tpu.memory_space<hbm>> -> memref<8192xf32, #tpu.memory_space<hbm>>
    tpu.wait_dma2 semaphore(%arg10 : memref<!tpu.dma_semaphore, #tpu.memory_space<semaphore_mem>>) src(%dma_wait3A_100 : memref<8192xf32, #tpu.memory_space<hbm>>) dst(%arg6 : memref<8192xf32, #tpu.memory_space<vmem>>)
    %parallel_loop3A_101 = arith.constant 0 : i32
    %parallel_loop3A_102 = arith.constant 64 : i32
    %parallel_loop3A_103 = arith.constant 1 : i32
    %parallel_loop3A_104:16 = scf.for %parallel_loop3A_307 = %parallel_loop3A_101 to %parallel_loop3A_102 step %parallel_loop3A_103 iter_args(%parallel_loop3A_308 = %parallel_loop3A_78#0, %parallel_loop3A_309 = %parallel_loop3A_78#1, %parallel_loop3A_310 = %parallel_loop3A_78#2, %parallel_loop3A_311 = %parallel_loop3A_78#3, %parallel_loop3A_312 = %parallel_loop3A_78#4, %parallel_loop3A_313 = %parallel_loop3A_78#5, %parallel_loop3A_314 = %parallel_loop3A_78#6, %parallel_loop3A_315 = %parallel_loop3A_78#7, %parallel_loop3A_316 = %parallel_loop3A_78#8, %parallel_loop3A_317 = %parallel_loop3A_78#9, %parallel_loop3A_318 = %parallel_loop3A_78#10, %parallel_loop3A_319 = %parallel_loop3A_78#11, %parallel_loop3A_320 = %parallel_loop3A_78#12, %parallel_loop3A_321 = %parallel_loop3A_78#13, %parallel_loop3A_322 = %parallel_loop3A_78#14, %parallel_loop3A_323 = %parallel_loop3A_78#15) -> (vector<16xf32>, vector<16xf32>, vector<16xf32>, vector<16xf32>, vector<16xf32>, vector<16xf32>, vector<16xf32>, vector<16xf32>, vector<16xf32>, vector<16xf32>, vector<16xf32>, vector<16xf32>, vector<16xf32>, vector<16xf32>, vector<16xf32>, vector<16xf32>)  : i32 {
      %parallel_loop3A_324 = arith.constant 8 : i32
      %parallel_loop3A_325 = arith.muli %parallel_loop3A_307, %parallel_loop3A_324 : i32
      %parallel_loop3A_326 = arith.constant 0 : i32
      %parallel_loop3A_327 = arith.addi %parallel_loop3A_325, %parallel_loop3A_326 : i32
      %parallel_loop3A_328 = arith.constant 16 : i32
      %parallel_loop3A_329 = arith.muli %parallel_loop3A_327, %parallel_loop3A_328 : i32
      %parallel_loop3A_330 = arith.index_cast %parallel_loop3A_329 : i32 to index
      %parallel_loop3A_331 = tpu.vector_load %arg6[%parallel_loop3A_330] {strides = array<i32>} : memref<8192xf32, #tpu.memory_space<vmem>>, vector<16xf32>,
      %parallel_loop3A_332 = arith.maximumf %parallel_loop3A_308, %parallel_loop3A_331 : vector<16xf32>
      %parallel_loop3A_333 = arith.minimumf %parallel_loop3A_308, %parallel_loop3A_331 : vector<16xf32>
      %parallel_loop3A_334 = arith.maximumf %parallel_loop3A_316, %parallel_loop3A_333 : vector<16xf32>
      %parallel_loop3A_335 = arith.constant 8 : i32
      %parallel_loop3A_336 = arith.muli %parallel_loop3A_307, %parallel_loop3A_335 : i32
      %parallel_loop3A_337 = arith.constant 1 : i32
      %parallel_loop3A_338 = arith.addi %parallel_loop3A_336, %parallel_loop3A_337 : i32
      %parallel_loop3A_339 = arith.constant 16 : i32
      %parallel_loop3A_340 = arith.muli %parallel_loop3A_338, %parallel_loop3A_339 : i32
      %parallel_loop3A_341 = arith.index_cast %parallel_loop3A_340 : i32 to index
      %parallel_loop3A_342 = tpu.vector_load %arg6[%parallel_loop3A_341] {strides = array<i32>} : memref<8192xf32, #tpu.memory_space<vmem>>, vector<16xf32>,
      %parallel_loop3A_343 = arith.maximumf %parallel_loop3A_309, %parallel_loop3A_342 : vector<16xf32>
      %parallel_loop3A_344 = arith.minimumf %parallel_loop3A_309, %parallel_loop3A_342 : vector<16xf32>
      %parallel_loop3A_345 = arith.maximumf %parallel_loop3A_317, %parallel_loop3A_344 : vector<16xf32>
      %parallel_loop3A_346 = arith.constant 8 : i32
      %parallel_loop3A_347 = arith.muli %parallel_loop3A_307, %parallel_loop3A_346 : i32
      %parallel_loop3A_348 = arith.constant 2 : i32
      %parallel_loop3A_349 = arith.addi %parallel_loop3A_347, %parallel_loop3A_348 : i32
      %parallel_loop3A_350 = arith.constant 16 : i32
      %parallel_loop3A_351 = arith.muli %parallel_loop3A_349, %parallel_loop3A_350 : i32
      %parallel_loop3A_352 = arith.index_cast %parallel_loop3A_351 : i32 to index
      %parallel_loop3A_353 = tpu.vector_load %arg6[%parallel_loop3A_352] {strides = array<i32>} : memref<8192xf32, #tpu.memory_space<vmem>>, vector<16xf32>,
      %parallel_loop3A_354 = arith.maximumf %parallel_loop3A_310, %parallel_loop3A_353 : vector<16xf32>
      %parallel_loop3A_355 = arith.minimumf %parallel_loop3A_310, %parallel_loop3A_353 : vector<16xf32>
      %parallel_loop3A_356 = arith.maximumf %parallel_loop3A_318, %parallel_loop3A_355 : vector<16xf32>
      %parallel_loop3A_357 = arith.constant 8 : i32
      %parallel_loop3A_358 = arith.muli %parallel_loop3A_307, %parallel_loop3A_357 : i32
      %parallel_loop3A_359 = arith.constant 3 : i32
      %parallel_loop3A_360 = arith.addi %parallel_loop3A_358, %parallel_loop3A_359 : i32
      %parallel_loop3A_361 = arith.constant 16 : i32
      %parallel_loop3A_362 = arith.muli %parallel_loop3A_360, %parallel_loop3A_361 : i32
      %parallel_loop3A_363 = arith.index_cast %parallel_loop3A_362 : i32 to index
      %parallel_loop3A_364 = tpu.vector_load %arg6[%parallel_loop3A_363] {strides = array<i32>} : memref<8192xf32, #tpu.memory_space<vmem>>, vector<16xf32>,
      %parallel_loop3A_365 = arith.maximumf %parallel_loop3A_311, %parallel_loop3A_364 : vector<16xf32>
      %parallel_loop3A_366 = arith.minimumf %parallel_loop3A_311, %parallel_loop3A_364 : vector<16xf32>
      %parallel_loop3A_367 = arith.maximumf %parallel_loop3A_319, %parallel_loop3A_366 : vector<16xf32>
      %parallel_loop3A_368 = arith.constant 8 : i32
      %parallel_loop3A_369 = arith.muli %parallel_loop3A_307, %parallel_loop3A_368 : i32
      %parallel_loop3A_370 = arith.constant 4 : i32
      %parallel_loop3A_371 = arith.addi %parallel_loop3A_369, %parallel_loop3A_370 : i32
      %parallel_loop3A_372 = arith.constant 16 : i32
      %parallel_loop3A_373 = arith.muli %parallel_loop3A_371, %parallel_loop3A_372 : i32
      %parallel_loop3A_374 = arith.index_cast %parallel_loop3A_373 : i32 to index
      %parallel_loop3A_375 = tpu.vector_load %arg6[%parallel_loop3A_374] {strides = array<i32>} : memref<8192xf32, #tpu.memory_space<vmem>>, vector<16xf32>,
      %parallel_loop3A_376 = arith.maximumf %parallel_loop3A_312, %parallel_loop3A_375 : vector<16xf32>
      %parallel_loop3A_377 = arith.minimumf %parallel_loop3A_312, %parallel_loop3A_375 : vector<16xf32>
      %parallel_loop3A_378 = arith.maximumf %parallel_loop3A_320, %parallel_loop3A_377 : vector<16xf32>
      %parallel_loop3A_379 = arith.constant 8 : i32
      %parallel_loop3A_380 = arith.muli %parallel_loop3A_307, %parallel_loop3A_379 : i32
      %parallel_loop3A_381 = arith.constant 5 : i32
      %parallel_loop3A_382 = arith.addi %parallel_loop3A_380, %parallel_loop3A_381 : i32
      %parallel_loop3A_383 = arith.constant 16 : i32
      %parallel_loop3A_384 = arith.muli %parallel_loop3A_382, %parallel_loop3A_383 : i32
      %parallel_loop3A_385 = arith.index_cast %parallel_loop3A_384 : i32 to index
      %parallel_loop3A_386 = tpu.vector_load %arg6[%parallel_loop3A_385] {strides = array<i32>} : memref<8192xf32, #tpu.memory_space<vmem>>, vector<16xf32>,
      %parallel_loop3A_387 = arith.maximumf %parallel_loop3A_313, %parallel_loop3A_386 : vector<16xf32>
      %parallel_loop3A_388 = arith.minimumf %parallel_loop3A_313, %parallel_loop3A_386 : vector<16xf32>
      %parallel_loop3A_389 = arith.maximumf %parallel_loop3A_321, %parallel_loop3A_388 : vector<16xf32>
      %parallel_loop3A_390 = arith.constant 8 : i32
      %parallel_loop3A_391 = arith.muli %parallel_loop3A_307, %parallel_loop3A_390 : i32
      %parallel_loop3A_392 = arith.constant 6 : i32
      %parallel_loop3A_393 = arith.addi %parallel_loop3A_391, %parallel_loop3A_392 : i32
      %parallel_loop3A_394 = arith.constant 16 : i32
      %parallel_loop3A_395 = arith.muli %parallel_loop3A_393, %parallel_loop3A_394 : i32
      %parallel_loop3A_396 = arith.index_cast %parallel_loop3A_395 : i32 to index
      %parallel_loop3A_397 = tpu.vector_load %arg6[%parallel_loop3A_396] {strides = array<i32>} : memref<8192xf32, #tpu.memory_space<vmem>>, vector<16xf32>,
      %parallel_loop3A_398 = arith.maximumf %parallel_loop3A_314, %parallel_loop3A_397 : vector<16xf32>
      %parallel_loop3A_399 = arith.minimumf %parallel_loop3A_314, %parallel_loop3A_397 : vector<16xf32>
      %parallel_loop3A_400 = arith.maximumf %parallel_loop3A_322, %parallel_loop3A_399 : vector<16xf32>
      %parallel_loop3A_401 = arith.constant 8 : i32
      %parallel_loop3A_402 = arith.muli %parallel_loop3A_307, %parallel_loop3A_401 : i32
      %parallel_loop3A_403 = arith.constant 7 : i32
      %parallel_loop3A_404 = arith.addi %parallel_loop3A_402, %parallel_loop3A_403 : i32
      %parallel_loop3A_405 = arith.constant 16 : i32
      %parallel_loop3A_406 = arith.muli %parallel_loop3A_404, %parallel_loop3A_405 : i32
      %parallel_loop3A_407 = arith.index_cast %parallel_loop3A_406 : i32 to index
      %parallel_loop3A_408 = tpu.vector_load %arg6[%parallel_loop3A_407] {strides = array<i32>} : memref<8192xf32, #tpu.memory_space<vmem>>, vector<16xf32>,
      %parallel_loop3A_409 = arith.maximumf %parallel_loop3A_315, %parallel_loop3A_408 : vector<16xf32>
      %parallel_loop3A_410 = arith.minimumf %parallel_loop3A_315, %parallel_loop3A_408 : vector<16xf32>
      %parallel_loop3A_411 = arith.maximumf %parallel_loop3A_323, %parallel_loop3A_410 : vector<16xf32>
      scf.yield %parallel_loop3A_332, %parallel_loop3A_343, %parallel_loop3A_354, %parallel_loop3A_365, %parallel_loop3A_376, %parallel_loop3A_387, %parallel_loop3A_398, %parallel_loop3A_409, %parallel_loop3A_334, %parallel_loop3A_345, %parallel_loop3A_356, %parallel_loop3A_367, %parallel_loop3A_378, %parallel_loop3A_389, %parallel_loop3A_400, %parallel_loop3A_411 : vector<16xf32>, vector<16xf32>, vector<16xf32>, vector<16xf32>, vector<16xf32>, vector<16xf32>, vector<16xf32>, vector<16xf32>, vector<16xf32>, vector<16xf32>, vector<16xf32>, vector<16xf32>, vector<16xf32>, vector<16xf32>, vector<16xf32>, vector<16xf32>
    } {sc.loop_unroll_factor = 2 : i64, sc.parallel_access}
    %max3A = arith.maximumf %parallel_loop3A_104#0, %parallel_loop3A_104#1 : vector<16xf32>
    %min3A = arith.minimumf %parallel_loop3A_104#0, %parallel_loop3A_104#1 : vector<16xf32>
    %max3A_105 = arith.maximumf %parallel_loop3A_104#8, %parallel_loop3A_104#9 : vector<16xf32>
    %max3A_106 = arith.maximumf %min3A, %max3A_105 : vector<16xf32>
    %max3A_107 = arith.maximumf %parallel_loop3A_104#2, %parallel_loop3A_104#3 : vector<16xf32>
    %min3A_108 = arith.minimumf %parallel_loop3A_104#2, %parallel_loop3A_104#3 : vector<16xf32>
    %max3A_109 = arith.maximumf %parallel_loop3A_104#10, %parallel_loop3A_104#11 : vector<16xf32>
    %max3A_110 = arith.maximumf %min3A_108, %max3A_109 : vector<16xf32>
    %max3A_111 = arith.maximumf %parallel_loop3A_104#4, %parallel_loop3A_104#5 : vector<16xf32>
    %min3A_112 = arith.minimumf %parallel_loop3A_104#4, %parallel_loop3A_104#5 : vector<16xf32>
    %max3A_113 = arith.maximumf %parallel_loop3A_104#12, %parallel_loop3A_104#13 : vector<16xf32>
    %max3A_114 = arith.maximumf %min3A_112, %max3A_113 : vector<16xf32>
    %max3A_115 = arith.maximumf %parallel_loop3A_104#6, %parallel_loop3A_104#7 : vector<16xf32>
    %min3A_116 = arith.minimumf %parallel_loop3A_104#6, %parallel_loop3A_104#7 : vector<16xf32>
    %max3A_117 = arith.maximumf %parallel_loop3A_104#14, %parallel_loop3A_104#15 : vector<16xf32>
    %max3A_118 = arith.maximumf %min3A_116, %max3A_117 : vector<16xf32>
    %max3A_119 = arith.maximumf %max3A, %max3A_107 : vector<16xf32>
    %min3A_120 = arith.minimumf %max3A, %max3A_107 : vector<16xf32>
    %max3A_121 = arith.maximumf %max3A_106, %max3A_110 : vector<16xf32>
    %max3A_122 = arith.maximumf %min3A_120, %max3A_121 : vector<16xf32>
    %max3A_123 = arith.maximumf %max3A_111, %max3A_115 : vector<16xf32>
    %min3A_124 = arith.minimumf %max3A_111, %max3A_115 : vector<16xf32>
    %max3A_125 = arith.maximumf %max3A_114, %max3A_118 : vector<16xf32>
    %max3A_126 = arith.maximumf %min3A_124, %max3A_125 : vector<16xf32>
    %max3A_127 = arith.maximumf %max3A_119, %max3A_123 : vector<16xf32>
    %min3A_128 = arith.minimumf %max3A_119, %max3A_123 : vector<16xf32>
    %max3A_129 = arith.maximumf %max3A_122, %max3A_126 : vector<16xf32>
    %max3A_130 = arith.maximumf %min3A_128, %max3A_129 : vector<16xf32>
    %broadcast_in_dim3A_131 = arith.constant true
    %broadcast_in_dim3A_132 = vector.broadcast %broadcast_in_dim3A_131 : i1 to vector<16xi1>
    %masked_cummax3A = tpu.scan <max>, %max3A_127 masked %broadcast_in_dim3A_132 : vector<16xf32>, vector<16xi1> -> vector<16xf32>
    %rev3A = arith.constant 15 : i32
    %rev3A_133 = vector.broadcast %rev3A : i32 to vector<16xi32>
    %rev3A_134 = tpu.iota {dimensions = array<i32: 0>} : vector<16xi32>
    %rev3A_135 = arith.subi %rev3A_133, %rev3A_134 : vector<16xi32>
    %rev3A_136 = tpu.dynamic_gather %max3A_127[%rev3A_135] in [0] : vector<16xf32>, vector<16xi32> -> vector<16xf32>
    %broadcast_in_dim3A_137 = arith.constant true
    %broadcast_in_dim3A_138 = vector.broadcast %broadcast_in_dim3A_137 : i1 to vector<16xi1>
    %masked_cummax3A_139 = tpu.scan <max>, %rev3A_136 masked %broadcast_in_dim3A_138 : vector<16xf32>, vector<16xi1> -> vector<16xf32>
    %rev3A_140 = arith.constant 15 : i32
    %rev3A_141 = vector.broadcast %rev3A_140 : i32 to vector<16xi32>
    %rev3A_142 = tpu.iota {dimensions = array<i32: 0>} : vector<16xi32>
    %rev3A_143 = arith.subi %rev3A_141, %rev3A_142 : vector<16xi32>
    %rev3A_144 = tpu.dynamic_gather %masked_cummax3A_139[%rev3A_143] in [0] : vector<16xf32>, vector<16xi32> -> vector<16xf32>
    %max3A_145 = arith.maximumf %masked_cummax3A, %rev3A_144 : vector<16xf32>
    %eq3A = arith.cmpf oeq, %max3A_127, %max3A_145 : vector<16xf32>
    %all_reduce_population_count3A = tpu.all_reduce %eq3A {dim = 0 : i64, kind = #tpu.reduction_kind<sum>} : vector<16xi1> -> vector<16xi32>
    %select_n3A = arith.select %eq3A, %max3A_130, %max3A_127 : vector<16xi1>, vector<16xf32>
    %ge3A = arith.constant 2 : i32
    %ge3A_146 = vector.broadcast %ge3A : i32 to vector<16xi32>
    %ge3A_147 = arith.cmpi sge, %all_reduce_population_count3A, %ge3A_146 : vector<16xi32>
    %broadcast_in_dim3A_148 = arith.constant true
    %broadcast_in_dim3A_149 = vector.broadcast %broadcast_in_dim3A_148 : i1 to vector<16xi1>
    %masked_cummax3A_150 = tpu.scan <max>, %select_n3A masked %broadcast_in_dim3A_149 : vector<16xf32>, vector<16xi1> -> vector<16xf32>
    %rev3A_151 = arith.constant 15 : i32
    %rev3A_152 = vector.broadcast %rev3A_151 : i32 to vector<16xi32>
    %rev3A_153 = tpu.iota {dimensions = array<i32: 0>} : vector<16xi32>
    %rev3A_154 = arith.subi %rev3A_152, %rev3A_153 : vector<16xi32>
    %rev3A_155 = tpu.dynamic_gather %select_n3A[%rev3A_154] in [0] : vector<16xf32>, vector<16xi32> -> vector<16xf32>
    %broadcast_in_dim3A_156 = arith.constant true
    %broadcast_in_dim3A_157 = vector.broadcast %broadcast_in_dim3A_156 : i1 to vector<16xi1>
    %masked_cummax3A_158 = tpu.scan <max>, %rev3A_155 masked %broadcast_in_dim3A_157 : vector<16xf32>, vector<16xi1> -> vector<16xf32>
    %rev3A_159 = arith.constant 15 : i32
    %rev3A_160 = vector.broadcast %rev3A_159 : i32 to vector<16xi32>
    %rev3A_161 = tpu.iota {dimensions = array<i32: 0>} : vector<16xi32>
    %rev3A_162 = arith.subi %rev3A_160, %rev3A_161 : vector<16xi32>
    %rev3A_163 = tpu.dynamic_gather %masked_cummax3A_158[%rev3A_162] in [0] : vector<16xf32>, vector<16xi32> -> vector<16xf32>
    %max3A_164 = arith.maximumf %masked_cummax3A_150, %rev3A_163 : vector<16xf32>
    %select_n3A_165 = arith.select %ge3A_147, %max3A_145, %max3A_164 : vector<16xi1>, vector<16xf32>
    %iota3A = tpu.iota {dimensions = array<i32: 0>} : vector<16xi32>
    %eq3A_166 = arith.constant 0 : i32
    %eq3A_167 = vector.broadcast %eq3A_166 : i32 to vector<16xi32>
    %eq3A_168 = arith.cmpi eq, %iota3A, %eq3A_167 : vector<16xi32>
    %select_n3A_169 = arith.select %eq3A_168, %max3A_145, %broadcast_in_dim3A_26 : vector<16xi1>, vector<16xf32>
    %eq3A_170 = arith.constant 2 : i32
    %eq3A_171 = vector.broadcast %eq3A_170 : i32 to vector<16xi32>
    %eq3A_172 = arith.cmpi eq, %iota3A, %eq3A_171 : vector<16xi32>
    %select_n3A_173 = arith.select %eq3A_172, %select_n3A_165, %select_n3A_169 : vector<16xi1>, vector<16xf32>
    %add3A_174 = arith.constant 1 : i32
    %add3A_175 = arith.addi %mul3A_2, %add3A_174 : i32
    %dma_start3A_176 = arith.constant 0 : i32
    %dma_start3A_177 = tpu.memref_slice %arg2[%add3A_175, %dma_start3A_176] : memref<128x32768xf32, #tpu.memory_space<hbm>> -> memref<1x32768xf32, #tpu.memory_space<hbm>>
    %dma_start3A_178 = tpu.memref_squeeze %dma_start3A_177 : memref<1x32768xf32, #tpu.memory_space<hbm>> -> memref<32768xf32, #tpu.memory_space<hbm>>
    %dma_start3A_179 = arith.constant 16384 : i32
    %dma_start3A_180 = tpu.memref_slice %dma_start3A_178[%dma_start3A_179] : memref<32768xf32, #tpu.memory_space<hbm>> -> memref<8192xf32, #tpu.memory_space<hbm>>
    %dma_start3A_181 = arith.constant 0 : i32
    %dma_start3A_182 = tpu.memref_slice %arg2[%add3A_175, %dma_start3A_181] : memref<128x32768xf32, #tpu.memory_space<hbm>> -> memref<1x32768xf32, #tpu.memory_space<hbm>>
    %dma_start3A_183 = tpu.memref_squeeze %dma_start3A_182 : memref<1x32768xf32, #tpu.memory_space<hbm>> -> memref<32768xf32, #tpu.memory_space<hbm>>
    %dma_start3A_184 = arith.constant 16384 : i32
    %dma_start3A_185 = tpu.memref_slice %dma_start3A_183[%dma_start3A_184] : memref<32768xf32, #tpu.memory_space<hbm>> -> memref<8192xf32, #tpu.memory_space<hbm>>
    tpu.enqueue_dma source(%dma_start3A_185 : memref<8192xf32, #tpu.memory_space<hbm>>) target(%arg6 : memref<8192xf32, #tpu.memory_space<vmem>>) target_semaphore(%arg10 : memref<!tpu.dma_semaphore, #tpu.memory_space<semaphore_mem>>)
    %dma_wait3A_186 = arith.constant 0 : i32
    %dma_wait3A_187 = tpu.memref_slice %arg2[%add3A_54, %dma_wait3A_186] : memref<128x32768xf32, #tpu.memory_space<hbm>> -> memref<1x32768xf32, #tpu.memory_space<hbm>>
    %dma_wait3A_188 = tpu.memref_squeeze %dma_wait3A_187 : memref<1x32768xf32, #tpu.memory_space<hbm>> -> memref<32768xf32, #tpu.memory_space<hbm>>
    %dma_wait3A_189 = arith.constant 0 : i32
    %dma_wait3A_190 = tpu.memref_slice %dma_wait3A_188[%dma_wait3A_189] : memref<32768xf32, #tpu.memory_space<hbm>> -> memref<8192xf32, #tpu.memory_space<hbm>>
    %dma_wait3A_191 = arith.constant 0 : i32
    %dma_wait3A_192 = tpu.memref_slice %arg2[%add3A_54, %dma_wait3A_191] : memref<128x32768xf32, #tpu.memory_space<hbm>> -> memref<1x32768xf32, #tpu.memory_space<hbm>>
    %dma_wait3A_193 = tpu.memref_squeeze %dma_wait3A_192 : memref<1x32768xf32, #tpu.memory_space<hbm>> -> memref<32768xf32, #tpu.memory_space<hbm>>
    %dma_wait3A_194 = arith.constant 0 : i32
    %dma_wait3A_195 = tpu.memref_slice %dma_wait3A_193[%dma_wait3A_194] : memref<32768xf32, #tpu.memory_space<hbm>> -> memref<8192xf32, #tpu.memory_space<hbm>>
    tpu.wait_dma2 semaphore(%arg8 : memref<!tpu.dma_semaphore, #tpu.memory_space<semaphore_mem>>) src(%dma_wait3A_195 : memref<8192xf32, #tpu.memory_space<hbm>>) dst(%arg4 : memref<8192xf32, #tpu.memory_space<vmem>>)
    %parallel_loop3A_196 = arith.constant 0 : i32
    %parallel_loop3A_197 = arith.constant 64 : i32
    %parallel_loop3A_198 = arith.constant 1 : i32
    %parallel_loop3A_199:16 = scf.for %parallel_loop3A_307 = %parallel_loop3A_196 to %parallel_loop3A_197 step %parallel_loop3A_198 iter_args(%parallel_loop3A_308 = %broadcast_in_dim3A_28, %parallel_loop3A_309 = %broadcast_in_dim3A_28, %parallel_loop3A_310 = %broadcast_in_dim3A_28, %parallel_loop3A_311 = %broadcast_in_dim3A_28, %parallel_loop3A_312 = %broadcast_in_dim3A_28, %parallel_loop3A_313 = %broadcast_in_dim3A_28, %parallel_loop3A_314 = %broadcast_in_dim3A_28, %parallel_loop3A_315 = %broadcast_in_dim3A_28, %parallel_loop3A_316 = %broadcast_in_dim3A_28, %parallel_loop3A_317 = %broadcast_in_dim3A_28, %parallel_loop3A_318 = %broadcast_in_dim3A_28, %parallel_loop3A_319 = %broadcast_in_dim3A_28, %parallel_loop3A_320 = %broadcast_in_dim3A_28, %parallel_loop3A_321 = %broadcast_in_dim3A_28, %parallel_loop3A_322 = %broadcast_in_dim3A_28, %parallel_loop3A_323 = %broadcast_in_dim3A_28) -> (vector<16xf32>, vector<16xf32>, vector<16xf32>, vector<16xf32>, vector<16xf32>, vector<16xf32>, vector<16xf32>, vector<16xf32>, vector<16xf32>, vector<16xf32>, vector<16xf32>, vector<16xf32>, vector<16xf32>, vector<16xf32>, vector<16xf32>, vector<16xf32>)  : i32 {
      %parallel_loop3A_324 = arith.constant 8 : i32
      %parallel_loop3A_325 = arith.muli %parallel_loop3A_307, %parallel_loop3A_324 : i32
      %parallel_loop3A_326 = arith.constant 0 : i32
      %parallel_loop3A_327 = arith.addi %parallel_loop3A_325, %parallel_loop3A_326 : i32
      %parallel_loop3A_328 = arith.constant 16 : i32
      %parallel_loop3A_329 = arith.muli %parallel_loop3A_327, %parallel_loop3A_328 : i32
      %parallel_loop3A_330 = arith.index_cast %parallel_loop3A_329 : i32 to index
      %parallel_loop3A_331 = tpu.vector_load %arg4[%parallel_loop3A_330] {strides = array<i32>} : memref<8192xf32, #tpu.memory_space<vmem>>, vector<16xf32>,
      %parallel_loop3A_332 = arith.maximumf %parallel_loop3A_308, %parallel_loop3A_331 : vector<16xf32>
      %parallel_loop3A_333 = arith.minimumf %parallel_loop3A_308, %parallel_loop3A_331 : vector<16xf32>
      %parallel_loop3A_334 = arith.maximumf %parallel_loop3A_316, %parallel_loop3A_333 : vector<16xf32>
      %parallel_loop3A_335 = arith.constant 8 : i32
      %parallel_loop3A_336 = arith.muli %parallel_loop3A_307, %parallel_loop3A_335 : i32
      %parallel_loop3A_337 = arith.constant 1 : i32
      %parallel_loop3A_338 = arith.addi %parallel_loop3A_336, %parallel_loop3A_337 : i32
      %parallel_loop3A_339 = arith.constant 16 : i32
      %parallel_loop3A_340 = arith.muli %parallel_loop3A_338, %parallel_loop3A_339 : i32
      %parallel_loop3A_341 = arith.index_cast %parallel_loop3A_340 : i32 to index
      %parallel_loop3A_342 = tpu.vector_load %arg4[%parallel_loop3A_341] {strides = array<i32>} : memref<8192xf32, #tpu.memory_space<vmem>>, vector<16xf32>,
      %parallel_loop3A_343 = arith.maximumf %parallel_loop3A_309, %parallel_loop3A_342 : vector<16xf32>
      %parallel_loop3A_344 = arith.minimumf %parallel_loop3A_309, %parallel_loop3A_342 : vector<16xf32>
      %parallel_loop3A_345 = arith.maximumf %parallel_loop3A_317, %parallel_loop3A_344 : vector<16xf32>
      %parallel_loop3A_346 = arith.constant 8 : i32
      %parallel_loop3A_347 = arith.muli %parallel_loop3A_307, %parallel_loop3A_346 : i32
      %parallel_loop3A_348 = arith.constant 2 : i32
      %parallel_loop3A_349 = arith.addi %parallel_loop3A_347, %parallel_loop3A_348 : i32
      %parallel_loop3A_350 = arith.constant 16 : i32
      %parallel_loop3A_351 = arith.muli %parallel_loop3A_349, %parallel_loop3A_350 : i32
      %parallel_loop3A_352 = arith.index_cast %parallel_loop3A_351 : i32 to index
      %parallel_loop3A_353 = tpu.vector_load %arg4[%parallel_loop3A_352] {strides = array<i32>} : memref<8192xf32, #tpu.memory_space<vmem>>, vector<16xf32>,
      %parallel_loop3A_354 = arith.maximumf %parallel_loop3A_310, %parallel_loop3A_353 : vector<16xf32>
      %parallel_loop3A_355 = arith.minimumf %parallel_loop3A_310, %parallel_loop3A_353 : vector<16xf32>
      %parallel_loop3A_356 = arith.maximumf %parallel_loop3A_318, %parallel_loop3A_355 : vector<16xf32>
      %parallel_loop3A_357 = arith.constant 8 : i32
      %parallel_loop3A_358 = arith.muli %parallel_loop3A_307, %parallel_loop3A_357 : i32
      %parallel_loop3A_359 = arith.constant 3 : i32
      %parallel_loop3A_360 = arith.addi %parallel_loop3A_358, %parallel_loop3A_359 : i32
      %parallel_loop3A_361 = arith.constant 16 : i32
      %parallel_loop3A_362 = arith.muli %parallel_loop3A_360, %parallel_loop3A_361 : i32
      %parallel_loop3A_363 = arith.index_cast %parallel_loop3A_362 : i32 to index
      %parallel_loop3A_364 = tpu.vector_load %arg4[%parallel_loop3A_363] {strides = array<i32>} : memref<8192xf32, #tpu.memory_space<vmem>>, vector<16xf32>,
      %parallel_loop3A_365 = arith.maximumf %parallel_loop3A_311, %parallel_loop3A_364 : vector<16xf32>
      %parallel_loop3A_366 = arith.minimumf %parallel_loop3A_311, %parallel_loop3A_364 : vector<16xf32>
      %parallel_loop3A_367 = arith.maximumf %parallel_loop3A_319, %parallel_loop3A_366 : vector<16xf32>
      %parallel_loop3A_368 = arith.constant 8 : i32
      %parallel_loop3A_369 = arith.muli %parallel_loop3A_307, %parallel_loop3A_368 : i32
      %parallel_loop3A_370 = arith.constant 4 : i32
      %parallel_loop3A_371 = arith.addi %parallel_loop3A_369, %parallel_loop3A_370 : i32
      %parallel_loop3A_372 = arith.constant 16 : i32
      %parallel_loop3A_373 = arith.muli %parallel_loop3A_371, %parallel_loop3A_372 : i32
      %parallel_loop3A_374 = arith.index_cast %parallel_loop3A_373 : i32 to index
      %parallel_loop3A_375 = tpu.vector_load %arg4[%parallel_loop3A_374] {strides = array<i32>} : memref<8192xf32, #tpu.memory_space<vmem>>, vector<16xf32>,
      %parallel_loop3A_376 = arith.maximumf %parallel_loop3A_312, %parallel_loop3A_375 : vector<16xf32>
      %parallel_loop3A_377 = arith.minimumf %parallel_loop3A_312, %parallel_loop3A_375 : vector<16xf32>
      %parallel_loop3A_378 = arith.maximumf %parallel_loop3A_320, %parallel_loop3A_377 : vector<16xf32>
      %parallel_loop3A_379 = arith.constant 8 : i32
      %parallel_loop3A_380 = arith.muli %parallel_loop3A_307, %parallel_loop3A_379 : i32
      %parallel_loop3A_381 = arith.constant 5 : i32
      %parallel_loop3A_382 = arith.addi %parallel_loop3A_380, %parallel_loop3A_381 : i32
      %parallel_loop3A_383 = arith.constant 16 : i32
      %parallel_loop3A_384 = arith.muli %parallel_loop3A_382, %parallel_loop3A_383 : i32
      %parallel_loop3A_385 = arith.index_cast %parallel_loop3A_384 : i32 to index
      %parallel_loop3A_386 = tpu.vector_load %arg4[%parallel_loop3A_385] {strides = array<i32>} : memref<8192xf32, #tpu.memory_space<vmem>>, vector<16xf32>,
      %parallel_loop3A_387 = arith.maximumf %parallel_loop3A_313, %parallel_loop3A_386 : vector<16xf32>
      %parallel_loop3A_388 = arith.minimumf %parallel_loop3A_313, %parallel_loop3A_386 : vector<16xf32>
      %parallel_loop3A_389 = arith.maximumf %parallel_loop3A_321, %parallel_loop3A_388 : vector<16xf32>
      %parallel_loop3A_390 = arith.constant 8 : i32
      %parallel_loop3A_391 = arith.muli %parallel_loop3A_307, %parallel_loop3A_390 : i32
      %parallel_loop3A_392 = arith.constant 6 : i32
      %parallel_loop3A_393 = arith.addi %parallel_loop3A_391, %parallel_loop3A_392 : i32
      %parallel_loop3A_394 = arith.constant 16 : i32
      %parallel_loop3A_395 = arith.muli %parallel_loop3A_393, %parallel_loop3A_394 : i32
      %parallel_loop3A_396 = arith.index_cast %parallel_loop3A_395 : i32 to index
      %parallel_loop3A_397 = tpu.vector_load %arg4[%parallel_loop3A_396] {strides = array<i32>} : memref<8192xf32, #tpu.memory_space<vmem>>, vector<16xf32>,
      %parallel_loop3A_398 = arith.maximumf %parallel_loop3A_314, %parallel_loop3A_397 : vector<16xf32>
      %parallel_loop3A_399 = arith.minimumf %parallel_loop3A_314, %parallel_loop3A_397 : vector<16xf32>
      %parallel_loop3A_400 = arith.maximumf %parallel_loop3A_322, %parallel_loop3A_399 : vector<16xf32>
      %parallel_loop3A_401 = arith.constant 8 : i32
      %parallel_loop3A_402 = arith.muli %parallel_loop3A_307, %parallel_loop3A_401 : i32
      %parallel_loop3A_403 = arith.constant 7 : i32
      %parallel_loop3A_404 = arith.addi %parallel_loop3A_402, %parallel_loop3A_403 : i32
      %parallel_loop3A_405 = arith.constant 16 : i32
      %parallel_loop3A_406 = arith.muli %parallel_loop3A_404, %parallel_loop3A_405 : i32
      %parallel_loop3A_407 = arith.index_cast %parallel_loop3A_406 : i32 to index
      %parallel_loop3A_408 = tpu.vector_load %arg4[%parallel_loop3A_407] {strides = array<i32>} : memref<8192xf32, #tpu.memory_space<vmem>>, vector<16xf32>,
      %parallel_loop3A_409 = arith.maximumf %parallel_loop3A_315, %parallel_loop3A_408 : vector<16xf32>
      %parallel_loop3A_410 = arith.minimumf %parallel_loop3A_315, %parallel_loop3A_408 : vector<16xf32>
      %parallel_loop3A_411 = arith.maximumf %parallel_loop3A_323, %parallel_loop3A_410 : vector<16xf32>
      scf.yield %parallel_loop3A_332, %parallel_loop3A_343, %parallel_loop3A_354, %parallel_loop3A_365, %parallel_loop3A_376, %parallel_loop3A_387, %parallel_loop3A_398, %parallel_loop3A_409, %parallel_loop3A_334, %parallel_loop3A_345, %parallel_loop3A_356, %parallel_loop3A_367, %parallel_loop3A_378, %parallel_loop3A_389, %parallel_loop3A_400, %parallel_loop3A_411 : vector<16xf32>, vector<16xf32>, vector<16xf32>, vector<16xf32>, vector<16xf32>, vector<16xf32>, vector<16xf32>, vector<16xf32>, vector<16xf32>, vector<16xf32>, vector<16xf32>, vector<16xf32>, vector<16xf32>, vector<16xf32>, vector<16xf32>, vector<16xf32>
    } {sc.loop_unroll_factor = 2 : i64, sc.parallel_access}
    %dma_wait3A_200 = arith.constant 0 : i32
    %dma_wait3A_201 = tpu.memref_slice %arg2[%add3A_80, %dma_wait3A_200] : memref<128x32768xf32, #tpu.memory_space<hbm>> -> memref<1x32768xf32, #tpu.memory_space<hbm>>
    %dma_wait3A_202 = tpu.memref_squeeze %dma_wait3A_201 : memref<1x32768xf32, #tpu.memory_space<hbm>> -> memref<32768xf32, #tpu.memory_space<hbm>>
    %dma_wait3A_203 = arith.constant 8192 : i32
    %dma_wait3A_204 = tpu.memref_slice %dma_wait3A_202[%dma_wait3A_203] : memref<32768xf32, #tpu.memory_space<hbm>> -> memref<8192xf32, #tpu.memory_space<hbm>>
    %dma_wait3A_205 = arith.constant 0 : i32
    %dma_wait3A_206 = tpu.memref_slice %arg2[%add3A_80, %dma_wait3A_205] : memref<128x32768xf32, #tpu.memory_space<hbm>> -> memref<1x32768xf32, #tpu.memory_space<hbm>>
    %dma_wait3A_207 = tpu.memref_squeeze %dma_wait3A_206 : memref<1x32768xf32, #tpu.memory_space<hbm>> -> memref<32768xf32, #tpu.memory_space<hbm>>
    %dma_wait3A_208 = arith.constant 8192 : i32
    %dma_wait3A_209 = tpu.memref_slice %dma_wait3A_207[%dma_wait3A_208] : memref<32768xf32, #tpu.memory_space<hbm>> -> memref<8192xf32, #tpu.memory_space<hbm>>
    tpu.wait_dma2 semaphore(%arg9 : memref<!tpu.dma_semaphore, #tpu.memory_space<semaphore_mem>>) src(%dma_wait3A_209 : memref<8192xf32, #tpu.memory_space<hbm>>) dst(%arg5 : memref<8192xf32, #tpu.memory_space<vmem>>)
    %parallel_loop3A_210 = arith.constant 0 : i32
    %parallel_loop3A_211 = arith.constant 64 : i32
    %parallel_loop3A_212 = arith.constant 1 : i32
    %parallel_loop3A_213:16 = scf.for %parallel_loop3A_307 = %parallel_loop3A_210 to %parallel_loop3A_211 step %parallel_loop3A_212 iter_args(%parallel_loop3A_308 = %parallel_loop3A_199#0, %parallel_loop3A_309 = %parallel_loop3A_199#1, %parallel_loop3A_310 = %parallel_loop3A_199#2, %parallel_loop3A_311 = %parallel_loop3A_199#3, %parallel_loop3A_312 = %parallel_loop3A_199#4, %parallel_loop3A_313 = %parallel_loop3A_199#5, %parallel_loop3A_314 = %parallel_loop3A_199#6, %parallel_loop3A_315 = %parallel_loop3A_199#7, %parallel_loop3A_316 = %parallel_loop3A_199#8, %parallel_loop3A_317 = %parallel_loop3A_199#9, %parallel_loop3A_318 = %parallel_loop3A_199#10, %parallel_loop3A_319 = %parallel_loop3A_199#11, %parallel_loop3A_320 = %parallel_loop3A_199#12, %parallel_loop3A_321 = %parallel_loop3A_199#13, %parallel_loop3A_322 = %parallel_loop3A_199#14, %parallel_loop3A_323 = %parallel_loop3A_199#15) -> (vector<16xf32>, vector<16xf32>, vector<16xf32>, vector<16xf32>, vector<16xf32>, vector<16xf32>, vector<16xf32>, vector<16xf32>, vector<16xf32>, vector<16xf32>, vector<16xf32>, vector<16xf32>, vector<16xf32>, vector<16xf32>, vector<16xf32>, vector<16xf32>)  : i32 {
      %parallel_loop3A_324 = arith.constant 8 : i32
      %parallel_loop3A_325 = arith.muli %parallel_loop3A_307, %parallel_loop3A_324 : i32
      %parallel_loop3A_326 = arith.constant 0 : i32
      %parallel_loop3A_327 = arith.addi %parallel_loop3A_325, %parallel_loop3A_326 : i32
      %parallel_loop3A_328 = arith.constant 16 : i32
      %parallel_loop3A_329 = arith.muli %parallel_loop3A_327, %parallel_loop3A_328 : i32
      %parallel_loop3A_330 = arith.index_cast %parallel_loop3A_329 : i32 to index
      %parallel_loop3A_331 = tpu.vector_load %arg5[%parallel_loop3A_330] {strides = array<i32>} : memref<8192xf32, #tpu.memory_space<vmem>>, vector<16xf32>,
      %parallel_loop3A_332 = arith.maximumf %parallel_loop3A_308, %parallel_loop3A_331 : vector<16xf32>
      %parallel_loop3A_333 = arith.minimumf %parallel_loop3A_308, %parallel_loop3A_331 : vector<16xf32>
      %parallel_loop3A_334 = arith.maximumf %parallel_loop3A_316, %parallel_loop3A_333 : vector<16xf32>
      %parallel_loop3A_335 = arith.constant 8 : i32
      %parallel_loop3A_336 = arith.muli %parallel_loop3A_307, %parallel_loop3A_335 : i32
      %parallel_loop3A_337 = arith.constant 1 : i32
      %parallel_loop3A_338 = arith.addi %parallel_loop3A_336, %parallel_loop3A_337 : i32
      %parallel_loop3A_339 = arith.constant 16 : i32
      %parallel_loop3A_340 = arith.muli %parallel_loop3A_338, %parallel_loop3A_339 : i32
      %parallel_loop3A_341 = arith.index_cast %parallel_loop3A_340 : i32 to index
      %parallel_loop3A_342 = tpu.vector_load %arg5[%parallel_loop3A_341] {strides = array<i32>} : memref<8192xf32, #tpu.memory_space<vmem>>, vector<16xf32>,
      %parallel_loop3A_343 = arith.maximumf %parallel_loop3A_309, %parallel_loop3A_342 : vector<16xf32>
      %parallel_loop3A_344 = arith.minimumf %parallel_loop3A_309, %parallel_loop3A_342 : vector<16xf32>
      %parallel_loop3A_345 = arith.maximumf %parallel_loop3A_317, %parallel_loop3A_344 : vector<16xf32>
      %parallel_loop3A_346 = arith.constant 8 : i32
      %parallel_loop3A_347 = arith.muli %parallel_loop3A_307, %parallel_loop3A_346 : i32
      %parallel_loop3A_348 = arith.constant 2 : i32
      %parallel_loop3A_349 = arith.addi %parallel_loop3A_347, %parallel_loop3A_348 : i32
      %parallel_loop3A_350 = arith.constant 16 : i32
      %parallel_loop3A_351 = arith.muli %parallel_loop3A_349, %parallel_loop3A_350 : i32
      %parallel_loop3A_352 = arith.index_cast %parallel_loop3A_351 : i32 to index
      %parallel_loop3A_353 = tpu.vector_load %arg5[%parallel_loop3A_352] {strides = array<i32>} : memref<8192xf32, #tpu.memory_space<vmem>>, vector<16xf32>,
      %parallel_loop3A_354 = arith.maximumf %parallel_loop3A_310, %parallel_loop3A_353 : vector<16xf32>
      %parallel_loop3A_355 = arith.minimumf %parallel_loop3A_310, %parallel_loop3A_353 : vector<16xf32>
      %parallel_loop3A_356 = arith.maximumf %parallel_loop3A_318, %parallel_loop3A_355 : vector<16xf32>
      %parallel_loop3A_357 = arith.constant 8 : i32
      %parallel_loop3A_358 = arith.muli %parallel_loop3A_307, %parallel_loop3A_357 : i32
      %parallel_loop3A_359 = arith.constant 3 : i32
      %parallel_loop3A_360 = arith.addi %parallel_loop3A_358, %parallel_loop3A_359 : i32
      %parallel_loop3A_361 = arith.constant 16 : i32
      %parallel_loop3A_362 = arith.muli %parallel_loop3A_360, %parallel_loop3A_361 : i32
      %parallel_loop3A_363 = arith.index_cast %parallel_loop3A_362 : i32 to index
      %parallel_loop3A_364 = tpu.vector_load %arg5[%parallel_loop3A_363] {strides = array<i32>} : memref<8192xf32, #tpu.memory_space<vmem>>, vector<16xf32>,
      %parallel_loop3A_365 = arith.maximumf %parallel_loop3A_311, %parallel_loop3A_364 : vector<16xf32>
      %parallel_loop3A_366 = arith.minimumf %parallel_loop3A_311, %parallel_loop3A_364 : vector<16xf32>
      %parallel_loop3A_367 = arith.maximumf %parallel_loop3A_319, %parallel_loop3A_366 : vector<16xf32>
      %parallel_loop3A_368 = arith.constant 8 : i32
      %parallel_loop3A_369 = arith.muli %parallel_loop3A_307, %parallel_loop3A_368 : i32
      %parallel_loop3A_370 = arith.constant 4 : i32
      %parallel_loop3A_371 = arith.addi %parallel_loop3A_369, %parallel_loop3A_370 : i32
      %parallel_loop3A_372 = arith.constant 16 : i32
      %parallel_loop3A_373 = arith.muli %parallel_loop3A_371, %parallel_loop3A_372 : i32
      %parallel_loop3A_374 = arith.index_cast %parallel_loop3A_373 : i32 to index
      %parallel_loop3A_375 = tpu.vector_load %arg5[%parallel_loop3A_374] {strides = array<i32>} : memref<8192xf32, #tpu.memory_space<vmem>>, vector<16xf32>,
      %parallel_loop3A_376 = arith.maximumf %parallel_loop3A_312, %parallel_loop3A_375 : vector<16xf32>
      %parallel_loop3A_377 = arith.minimumf %parallel_loop3A_312, %parallel_loop3A_375 : vector<16xf32>
      %parallel_loop3A_378 = arith.maximumf %parallel_loop3A_320, %parallel_loop3A_377 : vector<16xf32>
      %parallel_loop3A_379 = arith.constant 8 : i32
      %parallel_loop3A_380 = arith.muli %parallel_loop3A_307, %parallel_loop3A_379 : i32
      %parallel_loop3A_381 = arith.constant 5 : i32
      %parallel_loop3A_382 = arith.addi %parallel_loop3A_380, %parallel_loop3A_381 : i32
      %parallel_loop3A_383 = arith.constant 16 : i32
      %parallel_loop3A_384 = arith.muli %parallel_loop3A_382, %parallel_loop3A_383 : i32
      %parallel_loop3A_385 = arith.index_cast %parallel_loop3A_384 : i32 to index
      %parallel_loop3A_386 = tpu.vector_load %arg5[%parallel_loop3A_385] {strides = array<i32>} : memref<8192xf32, #tpu.memory_space<vmem>>, vector<16xf32>,
      %parallel_loop3A_387 = arith.maximumf %parallel_loop3A_313, %parallel_loop3A_386 : vector<16xf32>
      %parallel_loop3A_388 = arith.minimumf %parallel_loop3A_313, %parallel_loop3A_386 : vector<16xf32>
      %parallel_loop3A_389 = arith.maximumf %parallel_loop3A_321, %parallel_loop3A_388 : vector<16xf32>
      %parallel_loop3A_390 = arith.constant 8 : i32
      %parallel_loop3A_391 = arith.muli %parallel_loop3A_307, %parallel_loop3A_390 : i32
      %parallel_loop3A_392 = arith.constant 6 : i32
      %parallel_loop3A_393 = arith.addi %parallel_loop3A_391, %parallel_loop3A_392 : i32
      %parallel_loop3A_394 = arith.constant 16 : i32
      %parallel_loop3A_395 = arith.muli %parallel_loop3A_393, %parallel_loop3A_394 : i32
      %parallel_loop3A_396 = arith.index_cast %parallel_loop3A_395 : i32 to index
      %parallel_loop3A_397 = tpu.vector_load %arg5[%parallel_loop3A_396] {strides = array<i32>} : memref<8192xf32, #tpu.memory_space<vmem>>, vector<16xf32>,
      %parallel_loop3A_398 = arith.maximumf %parallel_loop3A_314, %parallel_loop3A_397 : vector<16xf32>
      %parallel_loop3A_399 = arith.minimumf %parallel_loop3A_314, %parallel_loop3A_397 : vector<16xf32>
      %parallel_loop3A_400 = arith.maximumf %parallel_loop3A_322, %parallel_loop3A_399 : vector<16xf32>
      %parallel_loop3A_401 = arith.constant 8 : i32
      %parallel_loop3A_402 = arith.muli %parallel_loop3A_307, %parallel_loop3A_401 : i32
      %parallel_loop3A_403 = arith.constant 7 : i32
      %parallel_loop3A_404 = arith.addi %parallel_loop3A_402, %parallel_loop3A_403 : i32
      %parallel_loop3A_405 = arith.constant 16 : i32
      %parallel_loop3A_406 = arith.muli %parallel_loop3A_404, %parallel_loop3A_405 : i32
      %parallel_loop3A_407 = arith.index_cast %parallel_loop3A_406 : i32 to index
      %parallel_loop3A_408 = tpu.vector_load %arg5[%parallel_loop3A_407] {strides = array<i32>} : memref<8192xf32, #tpu.memory_space<vmem>>, vector<16xf32>,
      %parallel_loop3A_409 = arith.maximumf %parallel_loop3A_315, %parallel_loop3A_408 : vector<16xf32>
      %parallel_loop3A_410 = arith.minimumf %parallel_loop3A_315, %parallel_loop3A_408 : vector<16xf32>
      %parallel_loop3A_411 = arith.maximumf %parallel_loop3A_323, %parallel_loop3A_410 : vector<16xf32>
      scf.yield %parallel_loop3A_332, %parallel_loop3A_343, %parallel_loop3A_354, %parallel_loop3A_365, %parallel_loop3A_376, %parallel_loop3A_387, %parallel_loop3A_398, %parallel_loop3A_409, %parallel_loop3A_334, %parallel_loop3A_345, %parallel_loop3A_356, %parallel_loop3A_367, %parallel_loop3A_378, %parallel_loop3A_389, %parallel_loop3A_400, %parallel_loop3A_411 : vector<16xf32>, vector<16xf32>, vector<16xf32>, vector<16xf32>, vector<16xf32>, vector<16xf32>, vector<16xf32>, vector<16xf32>, vector<16xf32>, vector<16xf32>, vector<16xf32>, vector<16xf32>, vector<16xf32>, vector<16xf32>, vector<16xf32>, vector<16xf32>
    } {sc.loop_unroll_factor = 2 : i64, sc.parallel_access}
    %dma_wait3A_214 = arith.constant 0 : i32
    %dma_wait3A_215 = tpu.memref_slice %arg2[%add3A_175, %dma_wait3A_214] : memref<128x32768xf32, #tpu.memory_space<hbm>> -> memref<1x32768xf32, #tpu.memory_space<hbm>>
    %dma_wait3A_216 = tpu.memref_squeeze %dma_wait3A_215 : memref<1x32768xf32, #tpu.memory_space<hbm>> -> memref<32768xf32, #tpu.memory_space<hbm>>
    %dma_wait3A_217 = arith.constant 16384 : i32
    %dma_wait3A_218 = tpu.memref_slice %dma_wait3A_216[%dma_wait3A_217] : memref<32768xf32, #tpu.memory_space<hbm>> -> memref<8192xf32, #tpu.memory_space<hbm>>
    %dma_wait3A_219 = arith.constant 0 : i32
    %dma_wait3A_220 = tpu.memref_slice %arg2[%add3A_175, %dma_wait3A_219] : memref<128x32768xf32, #tpu.memory_space<hbm>> -> memref<1x32768xf32, #tpu.memory_space<hbm>>
    %dma_wait3A_221 = tpu.memref_squeeze %dma_wait3A_220 : memref<1x32768xf32, #tpu.memory_space<hbm>> -> memref<32768xf32, #tpu.memory_space<hbm>>
    %dma_wait3A_222 = arith.constant 16384 : i32
    %dma_wait3A_223 = tpu.memref_slice %dma_wait3A_221[%dma_wait3A_222] : memref<32768xf32, #tpu.memory_space<hbm>> -> memref<8192xf32, #tpu.memory_space<hbm>>
    tpu.wait_dma2 semaphore(%arg10 : memref<!tpu.dma_semaphore, #tpu.memory_space<semaphore_mem>>) src(%dma_wait3A_223 : memref<8192xf32, #tpu.memory_space<hbm>>) dst(%arg6 : memref<8192xf32, #tpu.memory_space<vmem>>)
    %parallel_loop3A_224 = arith.constant 0 : i32
    %parallel_loop3A_225 = arith.constant 64 : i32
    %parallel_loop3A_226 = arith.constant 1 : i32
    %parallel_loop3A_227:16 = scf.for %parallel_loop3A_307 = %parallel_loop3A_224 to %parallel_loop3A_225 step %parallel_loop3A_226 iter_args(%parallel_loop3A_308 = %parallel_loop3A_213#0, %parallel_loop3A_309 = %parallel_loop3A_213#1, %parallel_loop3A_310 = %parallel_loop3A_213#2, %parallel_loop3A_311 = %parallel_loop3A_213#3, %parallel_loop3A_312 = %parallel_loop3A_213#4, %parallel_loop3A_313 = %parallel_loop3A_213#5, %parallel_loop3A_314 = %parallel_loop3A_213#6, %parallel_loop3A_315 = %parallel_loop3A_213#7, %parallel_loop3A_316 = %parallel_loop3A_213#8, %parallel_loop3A_317 = %parallel_loop3A_213#9, %parallel_loop3A_318 = %parallel_loop3A_213#10, %parallel_loop3A_319 = %parallel_loop3A_213#11, %parallel_loop3A_320 = %parallel_loop3A_213#12, %parallel_loop3A_321 = %parallel_loop3A_213#13, %parallel_loop3A_322 = %parallel_loop3A_213#14, %parallel_loop3A_323 = %parallel_loop3A_213#15) -> (vector<16xf32>, vector<16xf32>, vector<16xf32>, vector<16xf32>, vector<16xf32>, vector<16xf32>, vector<16xf32>, vector<16xf32>, vector<16xf32>, vector<16xf32>, vector<16xf32>, vector<16xf32>, vector<16xf32>, vector<16xf32>, vector<16xf32>, vector<16xf32>)  : i32 {
      %parallel_loop3A_324 = arith.constant 8 : i32
      %parallel_loop3A_325 = arith.muli %parallel_loop3A_307, %parallel_loop3A_324 : i32
      %parallel_loop3A_326 = arith.constant 0 : i32
      %parallel_loop3A_327 = arith.addi %parallel_loop3A_325, %parallel_loop3A_326 : i32
      %parallel_loop3A_328 = arith.constant 16 : i32
      %parallel_loop3A_329 = arith.muli %parallel_loop3A_327, %parallel_loop3A_328 : i32
      %parallel_loop3A_330 = arith.index_cast %parallel_loop3A_329 : i32 to index
      %parallel_loop3A_331 = tpu.vector_load %arg6[%parallel_loop3A_330] {strides = array<i32>} : memref<8192xf32, #tpu.memory_space<vmem>>, vector<16xf32>,
      %parallel_loop3A_332 = arith.maximumf %parallel_loop3A_308, %parallel_loop3A_331 : vector<16xf32>
      %parallel_loop3A_333 = arith.minimumf %parallel_loop3A_308, %parallel_loop3A_331 : vector<16xf32>
      %parallel_loop3A_334 = arith.maximumf %parallel_loop3A_316, %parallel_loop3A_333 : vector<16xf32>
      %parallel_loop3A_335 = arith.constant 8 : i32
      %parallel_loop3A_336 = arith.muli %parallel_loop3A_307, %parallel_loop3A_335 : i32
      %parallel_loop3A_337 = arith.constant 1 : i32
      %parallel_loop3A_338 = arith.addi %parallel_loop3A_336, %parallel_loop3A_337 : i32
      %parallel_loop3A_339 = arith.constant 16 : i32
      %parallel_loop3A_340 = arith.muli %parallel_loop3A_338, %parallel_loop3A_339 : i32
      %parallel_loop3A_341 = arith.index_cast %parallel_loop3A_340 : i32 to index
      %parallel_loop3A_342 = tpu.vector_load %arg6[%parallel_loop3A_341] {strides = array<i32>} : memref<8192xf32, #tpu.memory_space<vmem>>, vector<16xf32>,
      %parallel_loop3A_343 = arith.maximumf %parallel_loop3A_309, %parallel_loop3A_342 : vector<16xf32>
      %parallel_loop3A_344 = arith.minimumf %parallel_loop3A_309, %parallel_loop3A_342 : vector<16xf32>
      %parallel_loop3A_345 = arith.maximumf %parallel_loop3A_317, %parallel_loop3A_344 : vector<16xf32>
      %parallel_loop3A_346 = arith.constant 8 : i32
      %parallel_loop3A_347 = arith.muli %parallel_loop3A_307, %parallel_loop3A_346 : i32
      %parallel_loop3A_348 = arith.constant 2 : i32
      %parallel_loop3A_349 = arith.addi %parallel_loop3A_347, %parallel_loop3A_348 : i32
      %parallel_loop3A_350 = arith.constant 16 : i32
      %parallel_loop3A_351 = arith.muli %parallel_loop3A_349, %parallel_loop3A_350 : i32
      %parallel_loop3A_352 = arith.index_cast %parallel_loop3A_351 : i32 to index
      %parallel_loop3A_353 = tpu.vector_load %arg6[%parallel_loop3A_352] {strides = array<i32>} : memref<8192xf32, #tpu.memory_space<vmem>>, vector<16xf32>,
      %parallel_loop3A_354 = arith.maximumf %parallel_loop3A_310, %parallel_loop3A_353 : vector<16xf32>
      %parallel_loop3A_355 = arith.minimumf %parallel_loop3A_310, %parallel_loop3A_353 : vector<16xf32>
      %parallel_loop3A_356 = arith.maximumf %parallel_loop3A_318, %parallel_loop3A_355 : vector<16xf32>
      %parallel_loop3A_357 = arith.constant 8 : i32
      %parallel_loop3A_358 = arith.muli %parallel_loop3A_307, %parallel_loop3A_357 : i32
      %parallel_loop3A_359 = arith.constant 3 : i32
      %parallel_loop3A_360 = arith.addi %parallel_loop3A_358, %parallel_loop3A_359 : i32
      %parallel_loop3A_361 = arith.constant 16 : i32
      %parallel_loop3A_362 = arith.muli %parallel_loop3A_360, %parallel_loop3A_361 : i32
      %parallel_loop3A_363 = arith.index_cast %parallel_loop3A_362 : i32 to index
      %parallel_loop3A_364 = tpu.vector_load %arg6[%parallel_loop3A_363] {strides = array<i32>} : memref<8192xf32, #tpu.memory_space<vmem>>, vector<16xf32>,
      %parallel_loop3A_365 = arith.maximumf %parallel_loop3A_311, %parallel_loop3A_364 : vector<16xf32>
      %parallel_loop3A_366 = arith.minimumf %parallel_loop3A_311, %parallel_loop3A_364 : vector<16xf32>
      %parallel_loop3A_367 = arith.maximumf %parallel_loop3A_319, %parallel_loop3A_366 : vector<16xf32>
      %parallel_loop3A_368 = arith.constant 8 : i32
      %parallel_loop3A_369 = arith.muli %parallel_loop3A_307, %parallel_loop3A_368 : i32
      %parallel_loop3A_370 = arith.constant 4 : i32
      %parallel_loop3A_371 = arith.addi %parallel_loop3A_369, %parallel_loop3A_370 : i32
      %parallel_loop3A_372 = arith.constant 16 : i32
      %parallel_loop3A_373 = arith.muli %parallel_loop3A_371, %parallel_loop3A_372 : i32
      %parallel_loop3A_374 = arith.index_cast %parallel_loop3A_373 : i32 to index
      %parallel_loop3A_375 = tpu.vector_load %arg6[%parallel_loop3A_374] {strides = array<i32>} : memref<8192xf32, #tpu.memory_space<vmem>>, vector<16xf32>,
      %parallel_loop3A_376 = arith.maximumf %parallel_loop3A_312, %parallel_loop3A_375 : vector<16xf32>
      %parallel_loop3A_377 = arith.minimumf %parallel_loop3A_312, %parallel_loop3A_375 : vector<16xf32>
      %parallel_loop3A_378 = arith.maximumf %parallel_loop3A_320, %parallel_loop3A_377 : vector<16xf32>
      %parallel_loop3A_379 = arith.constant 8 : i32
      %parallel_loop3A_380 = arith.muli %parallel_loop3A_307, %parallel_loop3A_379 : i32
      %parallel_loop3A_381 = arith.constant 5 : i32
      %parallel_loop3A_382 = arith.addi %parallel_loop3A_380, %parallel_loop3A_381 : i32
      %parallel_loop3A_383 = arith.constant 16 : i32
      %parallel_loop3A_384 = arith.muli %parallel_loop3A_382, %parallel_loop3A_383 : i32
      %parallel_loop3A_385 = arith.index_cast %parallel_loop3A_384 : i32 to index
      %parallel_loop3A_386 = tpu.vector_load %arg6[%parallel_loop3A_385] {strides = array<i32>} : memref<8192xf32, #tpu.memory_space<vmem>>, vector<16xf32>,
      %parallel_loop3A_387 = arith.maximumf %parallel_loop3A_313, %parallel_loop3A_386 : vector<16xf32>
      %parallel_loop3A_388 = arith.minimumf %parallel_loop3A_313, %parallel_loop3A_386 : vector<16xf32>
      %parallel_loop3A_389 = arith.maximumf %parallel_loop3A_321, %parallel_loop3A_388 : vector<16xf32>
      %parallel_loop3A_390 = arith.constant 8 : i32
      %parallel_loop3A_391 = arith.muli %parallel_loop3A_307, %parallel_loop3A_390 : i32
      %parallel_loop3A_392 = arith.constant 6 : i32
      %parallel_loop3A_393 = arith.addi %parallel_loop3A_391, %parallel_loop3A_392 : i32
      %parallel_loop3A_394 = arith.constant 16 : i32
      %parallel_loop3A_395 = arith.muli %parallel_loop3A_393, %parallel_loop3A_394 : i32
      %parallel_loop3A_396 = arith.index_cast %parallel_loop3A_395 : i32 to index
      %parallel_loop3A_397 = tpu.vector_load %arg6[%parallel_loop3A_396] {strides = array<i32>} : memref<8192xf32, #tpu.memory_space<vmem>>, vector<16xf32>,
      %parallel_loop3A_398 = arith.maximumf %parallel_loop3A_314, %parallel_loop3A_397 : vector<16xf32>
      %parallel_loop3A_399 = arith.minimumf %parallel_loop3A_314, %parallel_loop3A_397 : vector<16xf32>
      %parallel_loop3A_400 = arith.maximumf %parallel_loop3A_322, %parallel_loop3A_399 : vector<16xf32>
      %parallel_loop3A_401 = arith.constant 8 : i32
      %parallel_loop3A_402 = arith.muli %parallel_loop3A_307, %parallel_loop3A_401 : i32
      %parallel_loop3A_403 = arith.constant 7 : i32
      %parallel_loop3A_404 = arith.addi %parallel_loop3A_402, %parallel_loop3A_403 : i32
      %parallel_loop3A_405 = arith.constant 16 : i32
      %parallel_loop3A_406 = arith.muli %parallel_loop3A_404, %parallel_loop3A_405 : i32
      %parallel_loop3A_407 = arith.index_cast %parallel_loop3A_406 : i32 to index
      %parallel_loop3A_408 = tpu.vector_load %arg6[%parallel_loop3A_407] {strides = array<i32>} : memref<8192xf32, #tpu.memory_space<vmem>>, vector<16xf32>,
      %parallel_loop3A_409 = arith.maximumf %parallel_loop3A_315, %parallel_loop3A_408 : vector<16xf32>
      %parallel_loop3A_410 = arith.minimumf %parallel_loop3A_315, %parallel_loop3A_408 : vector<16xf32>
      %parallel_loop3A_411 = arith.maximumf %parallel_loop3A_323, %parallel_loop3A_410 : vector<16xf32>
      scf.yield %parallel_loop3A_332, %parallel_loop3A_343, %parallel_loop3A_354, %parallel_loop3A_365, %parallel_loop3A_376, %parallel_loop3A_387, %parallel_loop3A_398, %parallel_loop3A_409, %parallel_loop3A_334, %parallel_loop3A_345, %parallel_loop3A_356, %parallel_loop3A_367, %parallel_loop3A_378, %parallel_loop3A_389, %parallel_loop3A_400, %parallel_loop3A_411 : vector<16xf32>, vector<16xf32>, vector<16xf32>, vector<16xf32>, vector<16xf32>, vector<16xf32>, vector<16xf32>, vector<16xf32>, vector<16xf32>, vector<16xf32>, vector<16xf32>, vector<16xf32>, vector<16xf32>, vector<16xf32>, vector<16xf32>, vector<16xf32>
    } {sc.loop_unroll_factor = 2 : i64, sc.parallel_access}
    %max3A_228 = arith.maximumf %parallel_loop3A_227#0, %parallel_loop3A_227#1 : vector<16xf32>
    %min3A_229 = arith.minimumf %parallel_loop3A_227#0, %parallel_loop3A_227#1 : vector<16xf32>
    %max3A_230 = arith.maximumf %parallel_loop3A_227#8, %parallel_loop3A_227#9 : vector<16xf32>
    %max3A_231 = arith.maximumf %min3A_229, %max3A_230 : vector<16xf32>
    %max3A_232 = arith.maximumf %parallel_loop3A_227#2, %parallel_loop3A_227#3 : vector<16xf32>
    %min3A_233 = arith.minimumf %parallel_loop3A_227#2, %parallel_loop3A_227#3 : vector<16xf32>
    %max3A_234 = arith.maximumf %parallel_loop3A_227#10, %parallel_loop3A_227#11 : vector<16xf32>
    %max3A_235 = arith.maximumf %min3A_233, %max3A_234 : vector<16xf32>
    %max3A_236 = arith.maximumf %parallel_loop3A_227#4, %parallel_loop3A_227#5 : vector<16xf32>
    %min3A_237 = arith.minimumf %parallel_loop3A_227#4, %parallel_loop3A_227#5 : vector<16xf32>
    %max3A_238 = arith.maximumf %parallel_loop3A_227#12, %parallel_loop3A_227#13 : vector<16xf32>
    %max3A_239 = arith.maximumf %min3A_237, %max3A_238 : vector<16xf32>
    %max3A_240 = arith.maximumf %parallel_loop3A_227#6, %parallel_loop3A_227#7 : vector<16xf32>
    %min3A_241 = arith.minimumf %parallel_loop3A_227#6, %parallel_loop3A_227#7 : vector<16xf32>
    %max3A_242 = arith.maximumf %parallel_loop3A_227#14, %parallel_loop3A_227#15 : vector<16xf32>
    %max3A_243 = arith.maximumf %min3A_241, %max3A_242 : vector<16xf32>
    %max3A_244 = arith.maximumf %max3A_228, %max3A_232 : vector<16xf32>
    %min3A_245 = arith.minimumf %max3A_228, %max3A_232 : vector<16xf32>
    %max3A_246 = arith.maximumf %max3A_231, %max3A_235 : vector<16xf32>
    %max3A_247 = arith.maximumf %min3A_245, %max3A_246 : vector<16xf32>
    %max3A_248 = arith.maximumf %max3A_236, %max3A_240 : vector<16xf32>
    %min3A_249 = arith.minimumf %max3A_236, %max3A_240 : vector<16xf32>
    %max3A_250 = arith.maximumf %max3A_239, %max3A_243 : vector<16xf32>
    %max3A_251 = arith.maximumf %min3A_249, %max3A_250 : vector<16xf32>
    %max3A_252 = arith.maximumf %max3A_244, %max3A_248 : vector<16xf32>
    %min3A_253 = arith.minimumf %max3A_244, %max3A_248 : vector<16xf32>
    %max3A_254 = arith.maximumf %max3A_247, %max3A_251 : vector<16xf32>
    %max3A_255 = arith.maximumf %min3A_253, %max3A_254 : vector<16xf32>
    %broadcast_in_dim3A_256 = arith.constant true
    %broadcast_in_dim3A_257 = vector.broadcast %broadcast_in_dim3A_256 : i1 to vector<16xi1>
    %masked_cummax3A_258 = tpu.scan <max>, %max3A_252 masked %broadcast_in_dim3A_257 : vector<16xf32>, vector<16xi1> -> vector<16xf32>
    %rev3A_259 = arith.constant 15 : i32
    %rev3A_260 = vector.broadcast %rev3A_259 : i32 to vector<16xi32>
    %rev3A_261 = tpu.iota {dimensions = array<i32: 0>} : vector<16xi32>
    %rev3A_262 = arith.subi %rev3A_260, %rev3A_261 : vector<16xi32>
    %rev3A_263 = tpu.dynamic_gather %max3A_252[%rev3A_262] in [0] : vector<16xf32>, vector<16xi32> -> vector<16xf32>
    %broadcast_in_dim3A_264 = arith.constant true
    %broadcast_in_dim3A_265 = vector.broadcast %broadcast_in_dim3A_264 : i1 to vector<16xi1>
    %masked_cummax3A_266 = tpu.scan <max>, %rev3A_263 masked %broadcast_in_dim3A_265 : vector<16xf32>, vector<16xi1> -> vector<16xf32>
    %rev3A_267 = arith.constant 15 : i32
    %rev3A_268 = vector.broadcast %rev3A_267 : i32 to vector<16xi32>
    %rev3A_269 = tpu.iota {dimensions = array<i32: 0>} : vector<16xi32>
    %rev3A_270 = arith.subi %rev3A_268, %rev3A_269 : vector<16xi32>
    %rev3A_271 = tpu.dynamic_gather %masked_cummax3A_266[%rev3A_270] in [0] : vector<16xf32>, vector<16xi32> -> vector<16xf32>
    %max3A_272 = arith.maximumf %masked_cummax3A_258, %rev3A_271 : vector<16xf32>
    %eq3A_273 = arith.cmpf oeq, %max3A_252, %max3A_272 : vector<16xf32>
    %all_reduce_population_count3A_274 = tpu.all_reduce %eq3A_273 {dim = 0 : i64, kind = #tpu.reduction_kind<sum>} : vector<16xi1> -> vector<16xi32>
    %select_n3A_275 = arith.select %eq3A_273, %max3A_255, %max3A_252 : vector<16xi1>, vector<16xf32>
    %ge3A_276 = arith.constant 2 : i32
    %ge3A_277 = vector.broadcast %ge3A_276 : i32 to vector<16xi32>
    %ge3A_278 = arith.cmpi sge, %all_reduce_population_count3A_274, %ge3A_277 : vector<16xi32>
    %broadcast_in_dim3A_279 = arith.constant true
    %broadcast_in_dim3A_280 = vector.broadcast %broadcast_in_dim3A_279 : i1 to vector<16xi1>
    %masked_cummax3A_281 = tpu.scan <max>, %select_n3A_275 masked %broadcast_in_dim3A_280 : vector<16xf32>, vector<16xi1> -> vector<16xf32>
    %rev3A_282 = arith.constant 15 : i32
    %rev3A_283 = vector.broadcast %rev3A_282 : i32 to vector<16xi32>
    %rev3A_284 = tpu.iota {dimensions = array<i32: 0>} : vector<16xi32>
    %rev3A_285 = arith.subi %rev3A_283, %rev3A_284 : vector<16xi32>
    %rev3A_286 = tpu.dynamic_gather %select_n3A_275[%rev3A_285] in [0] : vector<16xf32>, vector<16xi32> -> vector<16xf32>
    %broadcast_in_dim3A_287 = arith.constant true
    %broadcast_in_dim3A_288 = vector.broadcast %broadcast_in_dim3A_287 : i1 to vector<16xi1>
    %masked_cummax3A_289 = tpu.scan <max>, %rev3A_286 masked %broadcast_in_dim3A_288 : vector<16xf32>, vector<16xi1> -> vector<16xf32>
    %rev3A_290 = arith.constant 15 : i32
    %rev3A_291 = vector.broadcast %rev3A_290 : i32 to vector<16xi32>
    %rev3A_292 = tpu.iota {dimensions = array<i32: 0>} : vector<16xi32>
    %rev3A_293 = arith.subi %rev3A_291, %rev3A_292 : vector<16xi32>
    %rev3A_294 = tpu.dynamic_gather %masked_cummax3A_289[%rev3A_293] in [0] : vector<16xf32>, vector<16xi32> -> vector<16xf32>
    %max3A_295 = arith.maximumf %masked_cummax3A_281, %rev3A_294 : vector<16xf32>
    %select_n3A_296 = arith.select %ge3A_278, %max3A_272, %max3A_295 : vector<16xi1>, vector<16xf32>
    %iota3A_297 = tpu.iota {dimensions = array<i32: 0>} : vector<16xi32>
    %eq3A_298 = arith.constant 1 : i32
    %eq3A_299 = vector.broadcast %eq3A_298 : i32 to vector<16xi32>
    %eq3A_300 = arith.cmpi eq, %iota3A_297, %eq3A_299 : vector<16xi32>
    %select_n3A_301 = arith.select %eq3A_300, %max3A_272, %select_n3A_173 : vector<16xi1>, vector<16xf32>
    %eq3A_302 = arith.constant 3 : i32
    %eq3A_303 = vector.broadcast %eq3A_302 : i32 to vector<16xi32>
    %eq3A_304 = arith.cmpi eq, %iota3A_297, %eq3A_303 : vector<16xi32>
    %select_n3A_305 = arith.select %eq3A_304, %select_n3A_296, %select_n3A_301 : vector<16xi1>, vector<16xf32>
    %swap3A = arith.constant 0 : index
    %swap3A_306 = tpu.vector_load %arg7[%swap3A] {strides = array<i32>} : memref<16xf32, #tpu.memory_space<vmem>>, vector<16xf32>,
    tpu.vector_store %arg7[%swap3A], %select_n3A_305 {strides = array<i32>} : memref<16xf32, #tpu.memory_space<vmem>>, vector<16xf32>,
    "tpu.region"() ({
      %run_scoped3A = tpu.sem_alloc : memref<!tpu.dma_semaphore, #tpu.memory_space<semaphore_mem>>
      %dma_start3A_307 = arith.constant 0 : i32
      %dma_start3A_308 = tpu.memref_slice %arg3[%add3A, %dma_start3A_307] : memref<32x16xf32, #tpu.memory_space<hbm>> -> memref<1x16xf32, #tpu.memory_space<hbm>>
      %dma_start3A_309 = tpu.memref_squeeze %dma_start3A_308 : memref<1x16xf32, #tpu.memory_space<hbm>> -> memref<16xf32, #tpu.memory_space<hbm>>
      %dma_start3A_310 = arith.constant 0 : i32
      %dma_start3A_311 = tpu.memref_slice %arg3[%add3A, %dma_start3A_310] : memref<32x16xf32, #tpu.memory_space<hbm>> -> memref<1x16xf32, #tpu.memory_space<hbm>>
      %dma_start3A_312 = tpu.memref_squeeze %dma_start3A_311 : memref<1x16xf32, #tpu.memory_space<hbm>> -> memref<16xf32, #tpu.memory_space<hbm>>
      tpu.enqueue_dma source(%arg7 : memref<16xf32, #tpu.memory_space<vmem>>) target(%dma_start3A_312 : memref<16xf32, #tpu.memory_space<hbm>>) target_semaphore(%run_scoped3A : memref<!tpu.dma_semaphore, #tpu.memory_space<semaphore_mem>>)
      %dma_wait3A_313 = arith.constant 0 : i32
      %dma_wait3A_314 = tpu.memref_slice %arg3[%add3A, %dma_wait3A_313] : memref<32x16xf32, #tpu.memory_space<hbm>> -> memref<1x16xf32, #tpu.memory_space<hbm>>
      %dma_wait3A_315 = tpu.memref_squeeze %dma_wait3A_314 : memref<1x16xf32, #tpu.memory_space<hbm>> -> memref<16xf32, #tpu.memory_space<hbm>>
      %dma_wait3A_316 = arith.constant 0 : i32
      %dma_wait3A_317 = tpu.memref_slice %arg3[%add3A, %dma_wait3A_316] : memref<32x16xf32, #tpu.memory_space<hbm>> -> memref<1x16xf32, #tpu.memory_space<hbm>>
      %dma_wait3A_318 = tpu.memref_squeeze %dma_wait3A_317 : memref<1x16xf32, #tpu.memory_space<hbm>> -> memref<16xf32, #tpu.memory_space<hbm>>
      tpu.wait_dma2 semaphore(%run_scoped3A : memref<!tpu.dma_semaphore, #tpu.memory_space<semaphore_mem>>) src(%arg7 : memref<16xf32, #tpu.memory_space<vmem>>) dst(%dma_wait3A_318 : memref<16xf32, #tpu.memory_space<hbm>>)
      tpu.yield
    }) : () -> ()
    return
  }
}

module attributes {stable_mosaic.version = 14 : i64} {
  func.func @_top2_margin_tc_body(%arg0: i32, %arg1: memref<16x32768xf32, #tpu.memory_space<vmem>>, %arg2: memref<16x8192xf32, #tpu.memory_space<vmem>>, %arg3: memref<16x128xf32, #tpu.memory_space<vmem>>, %arg4: memref<16x128xf32, #tpu.memory_space<vmem>>) attributes {dimension_semantics = [#tpu.dimension_semantics<arbitrary>], iteration_bounds = array<i64: 4>, scalar_prefetch = 0 : i64, scratch_operands = 0 : i64, tpu.core_type = #tpu.core_type<tc>, window_params = [{transform_indices = @transform_0, window_bounds = array<i64: 16, 32768>}, {transform_indices = @transform_1, window_bounds = array<i64: 16, 8192>}, {transform_indices = @transform_2, window_bounds = array<i64: 16, 128>}, {transform_indices = @transform_3, window_bounds = array<i64: 16, 128>}]} {
    %broadcast_in_dim3A = arith.constant 0xFF800000 : f32
    %broadcast_in_dim3A_0 = vector.broadcast %broadcast_in_dim3A : f32 to vector<16x1024xf32>
    %scan3A = arith.constant 0 : i32
    %scan3A_1 = arith.constant 32 : i32
    %scan3A_2 = arith.addi %scan3A, %scan3A_1 : i32
    %scan3A_3 = arith.constant 1 : i32
    %scan3A_4:2 = scf.for %scan3A_64 = %scan3A to %scan3A_2 step %scan3A_3 iter_args(%scan3A_65 = %broadcast_in_dim3A_0, %scan3A_66 = %broadcast_in_dim3A_0) -> (vector<16x1024xf32>, vector<16x1024xf32>)  : i32 {
      %mul3A = arith.constant 1024 : i32
      %mul3A_67 = arith.muli %scan3A_64, %mul3A : i32
      %get3A = arith.constant 0 : index
      %get3A_68 = arith.index_cast %mul3A_67 : i32 to index
      %get3A_69 = vector.load %arg1[%get3A, %get3A_68] : memref<16x32768xf32, #tpu.memory_space<vmem>>, vector<16x1024xf32>
      %max3A = arith.maximumf %scan3A_65, %get3A_69 : vector<16x1024xf32>
      %min3A = arith.minimumf %scan3A_65, %get3A_69 : vector<16x1024xf32>
      %max3A_70 = arith.maximumf %scan3A_66, %min3A : vector<16x1024xf32>
      scf.yield %max3A, %max3A_70 : vector<16x1024xf32>, vector<16x1024xf32>
    }
    %scan3A_5 = arith.constant 32 : i32
    %reduce_max3A = arith.constant dense<0xFF800000> : vector<16xf32>
    %reduce_max3A_6 = vector.multi_reduction <maximumf>, %scan3A_4#0, %reduce_max3A [1] : vector<16x1024xf32> to vector<16xf32>
    %broadcast_in_dim3A_7 = vector.shape_cast %reduce_max3A_6 : vector<16xf32> to vector<16x1xf32>
    %eq3A = vector.broadcast %broadcast_in_dim3A_7 : vector<16x1xf32> to vector<16x1024xf32>
    %eq3A_8 = arith.cmpf oeq, %scan3A_4#0, %eq3A : vector<16x1024xf32>
    %convert_element_type3A = arith.extui %eq3A_8 : vector<16x1024xi1> to vector<16x1024xi32>
    %convert_element_type3A_9 = arith.sitofp %convert_element_type3A : vector<16x1024xi32> to vector<16x1024xf32>
    %reduce_sum3A = arith.constant dense<0.000000e+00> : vector<16xf32>
    %reduce_sum3A_10 = vector.multi_reduction <add>, %convert_element_type3A_9, %reduce_sum3A [1] : vector<16x1024xf32> to vector<16xf32>
    %broadcast_in_dim3A_11 = vector.shape_cast %reduce_sum3A_10 : vector<16xf32> to vector<16x1xf32>
    %select_n3A = arith.select %eq3A_8, %scan3A_4#1, %scan3A_4#0 : vector<16x1024xi1>, vector<16x1024xf32>
    %reduce_max3A_12 = arith.constant dense<0xFF800000> : vector<16xf32>
    %reduce_max3A_13 = vector.multi_reduction <maximumf>, %select_n3A, %reduce_max3A_12 [1] : vector<16x1024xf32> to vector<16xf32>
    %broadcast_in_dim3A_14 = vector.shape_cast %reduce_max3A_13 : vector<16xf32> to vector<16x1xf32>
    %ge3A = arith.constant 2.000000e+00 : f32
    %ge3A_15 = vector.broadcast %ge3A : f32 to vector<16x1xf32>
    %ge3A_16 = arith.cmpf oge, %broadcast_in_dim3A_11, %ge3A_15 : vector<16x1xf32>
    %select_n3A_17 = arith.select %ge3A_16, %broadcast_in_dim3A_7, %broadcast_in_dim3A_14 : vector<16x1xi1>, vector<16x1xf32>
    %sub3A = arith.subf %broadcast_in_dim3A_7, %select_n3A_17 : vector<16x1xf32>
    %broadcast_in_dim3A_18 = vector.shape_cast %sub3A : vector<16x1xf32> to vector<16x1xf32>
    %broadcast_in_dim3A_19 = vector.broadcast %broadcast_in_dim3A_18 : vector<16x1xf32> to vector<16x128xf32>
    %swap3A = arith.constant 0 : index
    %swap3A_20 = arith.constant 0 : index
    %swap3A_21 = vector.load %arg3[%swap3A, %swap3A_20] : memref<16x128xf32, #tpu.memory_space<vmem>>, vector<16x128xf32>
    tpu.vector_store %arg3[%swap3A, %swap3A_20], %broadcast_in_dim3A_19 {strides = array<i32>} : memref<16x128xf32, #tpu.memory_space<vmem>>, vector<16x128xf32>,
    %broadcast_in_dim3A_22 = arith.constant 0xFF800000 : f32
    %broadcast_in_dim3A_23 = vector.broadcast %broadcast_in_dim3A_22 : f32 to vector<16x1024xf32>
    %scan3A_24 = arith.constant 0 : i32
    %scan3A_25 = arith.constant 8 : i32
    %scan3A_26 = arith.addi %scan3A_24, %scan3A_25 : i32
    %scan3A_27 = arith.constant 1 : i32
    %scan3A_28:2 = scf.for %scan3A_64 = %scan3A_24 to %scan3A_26 step %scan3A_27 iter_args(%scan3A_65 = %broadcast_in_dim3A_23, %scan3A_66 = %broadcast_in_dim3A_23) -> (vector<16x1024xf32>, vector<16x1024xf32>)  : i32 {
      %mul3A = arith.constant 1024 : i32
      %mul3A_67 = arith.muli %scan3A_64, %mul3A : i32
      %get3A = arith.constant 0 : index
      %get3A_68 = arith.index_cast %mul3A_67 : i32 to index
      %get3A_69 = vector.load %arg2[%get3A, %get3A_68] : memref<16x8192xf32, #tpu.memory_space<vmem>>, vector<16x1024xf32>
      %max3A = arith.maximumf %scan3A_65, %get3A_69 : vector<16x1024xf32>
      %min3A = arith.minimumf %scan3A_65, %get3A_69 : vector<16x1024xf32>
      %max3A_70 = arith.maximumf %scan3A_66, %min3A : vector<16x1024xf32>
      scf.yield %max3A, %max3A_70 : vector<16x1024xf32>, vector<16x1024xf32>
    }
    %scan3A_29 = arith.constant 8 : i32
    %reduce_max3A_30 = arith.constant dense<0xFF800000> : vector<16xf32>
    %reduce_max3A_31 = vector.multi_reduction <maximumf>, %scan3A_28#0, %reduce_max3A_30 [1] : vector<16x1024xf32> to vector<16xf32>
    %broadcast_in_dim3A_32 = vector.shape_cast %reduce_max3A_31 : vector<16xf32> to vector<16x1xf32>
    %eq3A_33 = vector.broadcast %broadcast_in_dim3A_32 : vector<16x1xf32> to vector<16x1024xf32>
    %eq3A_34 = arith.cmpf oeq, %scan3A_28#0, %eq3A_33 : vector<16x1024xf32>
    %convert_element_type3A_35 = arith.extui %eq3A_34 : vector<16x1024xi1> to vector<16x1024xi32>
    %convert_element_type3A_36 = arith.sitofp %convert_element_type3A_35 : vector<16x1024xi32> to vector<16x1024xf32>
    %reduce_sum3A_37 = arith.constant dense<0.000000e+00> : vector<16xf32>
    %reduce_sum3A_38 = vector.multi_reduction <add>, %convert_element_type3A_36, %reduce_sum3A_37 [1] : vector<16x1024xf32> to vector<16xf32>
    %broadcast_in_dim3A_39 = vector.shape_cast %reduce_sum3A_38 : vector<16xf32> to vector<16x1xf32>
    %select_n3A_40 = arith.select %eq3A_34, %scan3A_28#1, %scan3A_28#0 : vector<16x1024xi1>, vector<16x1024xf32>
    %reduce_max3A_41 = arith.constant dense<0xFF800000> : vector<16xf32>
    %reduce_max3A_42 = vector.multi_reduction <maximumf>, %select_n3A_40, %reduce_max3A_41 [1] : vector<16x1024xf32> to vector<16xf32>
    %broadcast_in_dim3A_43 = vector.shape_cast %reduce_max3A_42 : vector<16xf32> to vector<16x1xf32>
    %ge3A_44 = arith.constant 2.000000e+00 : f32
    %ge3A_45 = vector.broadcast %ge3A_44 : f32 to vector<16x1xf32>
    %ge3A_46 = arith.cmpf oge, %broadcast_in_dim3A_39, %ge3A_45 : vector<16x1xf32>
    %select_n3A_47 = arith.select %ge3A_46, %broadcast_in_dim3A_32, %broadcast_in_dim3A_43 : vector<16x1xi1>, vector<16x1xf32>
    %iota3A = tpu.iota {dimensions = array<i32: 1>} : vector<16x128xi32>
    %eq3A_48 = arith.constant 0 : i32
    %eq3A_49 = vector.broadcast %eq3A_48 : i32 to vector<16x128xi32>
    %eq3A_50 = arith.cmpi eq, %iota3A, %eq3A_49 : vector<16x128xi32>
    %eq3A_51 = arith.constant 1 : i32
    %eq3A_52 = vector.broadcast %eq3A_51 : i32 to vector<16x128xi32>
    %eq3A_53 = arith.cmpi eq, %iota3A, %eq3A_52 : vector<16x128xi32>
    %jit3A = arith.constant 0.000000e+00 : f32
    %broadcast_in_dim3A_54 = vector.shape_cast %select_n3A_47 : vector<16x1xf32> to vector<16x1xf32>
    %broadcast_in_dim3A_55 = vector.broadcast %broadcast_in_dim3A_54 : vector<16x1xf32> to vector<16x128xf32>
    %broadcast_in_dim3A_56 = vector.broadcast %jit3A : f32 to vector<16x128xf32>
    %select_n3A_57 = arith.select %eq3A_53, %broadcast_in_dim3A_55, %broadcast_in_dim3A_56 : vector<16x128xi1>, vector<16x128xf32>
    %broadcast_in_dim3A_58 = vector.shape_cast %broadcast_in_dim3A_32 : vector<16x1xf32> to vector<16x1xf32>
    %broadcast_in_dim3A_59 = vector.broadcast %broadcast_in_dim3A_58 : vector<16x1xf32> to vector<16x128xf32>
    %select_n3A_60 = arith.select %eq3A_50, %broadcast_in_dim3A_59, %select_n3A_57 : vector<16x128xi1>, vector<16x128xf32>
    %swap3A_61 = arith.constant 0 : index
    %swap3A_62 = arith.constant 0 : index
    %swap3A_63 = vector.load %arg4[%swap3A_61, %swap3A_62] : memref<16x128xf32, #tpu.memory_space<vmem>>, vector<16x128xf32>
    tpu.vector_store %arg4[%swap3A_61, %swap3A_62], %select_n3A_60 {strides = array<i32>} : memref<16x128xf32, #tpu.memory_space<vmem>>, vector<16x128xf32>,
    return
  }
  func.func @transform_0(%arg0: i32) -> (i32, i32) {
    %add3A = arith.constant 4 : i32
    %add3A_0 = arith.addi %arg0, %add3A : i32
    %c0_i32 = arith.constant 0 : i32
    %c0_i32_1 = arith.constant 0 : i32
    return %add3A_0, %c0_i32 : i32, i32
  }
  func.func @transform_1(%arg0: i32) -> (i32, i32) {
    %c3_i32 = arith.constant 3 : i32
    %c0_i32 = arith.constant 0 : i32
    return %arg0, %c3_i32 : i32, i32
  }
  func.func @transform_2(%arg0: i32) -> (i32, i32) {
    %c0_i32 = arith.constant 0 : i32
    %c0_i32_0 = arith.constant 0 : i32
    return %arg0, %c0_i32 : i32, i32
  }
  func.func @transform_3(%arg0: i32) -> (i32, i32) {
    %c0_i32 = arith.constant 0 : i32
    %c0_i32_0 = arith.constant 0 : i32
    return %arg0, %c0_i32 : i32, i32
  }
}

</mosaic_0001>

<sc_bundles>
// kernel: kernel.4.cloned.1.call-start
scs
__scs_entry_jumppad:
0x0: {  	(pc) =	sbr.rel $0x88, $3  }
0x1: {  	(tag) =	ssettag $0x0;
	lr =	simm.s32 $0x1  }
0x2: {  	[smem:$0x3FA0] =	sst lr;
	_ =	strace $0xD0000000  }
0x3: {  	_ = 	snop  }
0x4: {  	_ = 	snop  }
0x5: {  	_ = 	snop  }
0x6: {  	_ = 	snop  }
0x7: {  	_ = 	snop  }
__scs_overlays_trampoline_lowered:
0x8: {  	[smem:$0x3FAF] =	sst s0  }
0x9: {  	[smem:$0x3FB0] =	sst s1  }
0xa: {  	[smem:$0x3FB1] =	sst s2  }
0xb: {  	[smem:$0x3FB2] =	sst s3  }
0xc: {  	[smem:$0x3FB3] =	sst s4  }
0xd: {  	[smem:$0x3FB4] =	sst s5  }
0xe: {  	[smem:$0x3FB5] =	sst s6  }
0xf: {  	[smem:$0x3FB6] =	sst s7  }
0x10: {  	[smem:$0x3FB7] =	sst s8  }
0x11: {  	[smem:$0x3FB8] =	sst s9;
	s0 =	simm.s32 @!p0 $0x0  }
0x12: {  	s1 =	sld [smem:$0x3F9E];
	s0 =	simm.s32 @p0 $0x1  }
0x13: {  	[smem:$0x3FB9] =	sst s0;
	s0 =	simm.s32 @!p1 $0x0  }
0x14: {  	s2 =	sld [smem:$0x3F9D];
	s0 =	simm.s32 @p1 $0x1  }
0x15: {  	[smem:$0x3FBA] =	sst s0;
	s0 =	simm.s32 @!p2 $0x0  }
0x16: {  	s3 =	sld [smem:$0x3FDB];
	s0 =	simm.s32 @p2 $0x1  }
0x17: {  	s4 =	simm.s32 $0x1BF5;
	[smem:$0x3FBC] =	sst s0  }
0x18: {  	s0 =	sld [smem:$0x3F9F];
	_ =	swait.ge [sflag:s4], $0x0  }
0x19: {  	s7 =	sld [smem:$0x3FA0]  }
0x1a: {  	s8 =	sadd.s32 $0xFFFFE003, lr  }
0x1b: {  	s9 =	sadd.s32 $0xFFFFFEF7, lr;
	s5 =	simm.s32 $0xFFFFFFFF;
	p2 =	slt.u32 s8, $0xFFFFF086  }
0x1c: {  	p1 =	slt.u32 s9, $0xF7A;
	s5 =	simm.s32 @!p2 $0x0  }
0x1d: {  	s5 =	simm.s32 @p1 $0x1;
	p0 =	seq.s32 s7, s2  }
0x1e: {  	s7 =	smul.u32 @!p0 $0xF7A, s2;
	p2 =	seq.s32 @!p0 s5, $0x0  }
0x1f: {  	s9 =	smul.u32 $0xF7A, s1;
	s8 =	simm.s32 @!p0 $0x1BF5;
	p2 =	por !p2, p0  }
0x20: {  	[sflag:s8] =	ssyncset.s32 @!p0 $0xFFFFF086;
	s6 =	sadd.s32 @!p0 s3, s7;
	s7 =	simm.s32 @!p0 $0x108  }
0x21: {  	s3 =	sadd.s32 s3, s9;
	s6 =	sadd.s32 @!p0 $0x88, s6;
	s7 =	simm.s32 @p2 $0x1082  }
0x22: {  	[simem:s7], [sflag:s8] =	dma.local @!p0 [hbm:s6], $0xF7A  }
0x23: {  	s9 =	sor.u32 $0xD0000000, s2;
	s6 =	simm.s32 $0x108;
	_ =	swait.ge @!p0 [sflag:s8], $0x0  }
0x24: {  	s3 =	sadd.s32 $0x88, s3;
	s6 =	simm.s32 @!p1 $0x1082;
	[sflag:s4] =	ssyncset.s32 $0xFFFFF086  }
0x25: {  	[simem:s6], [sflag:s4] =	dma.local [hbm:s3], $0xF7A  }
0x26: {  	[smem:$0x3FA0] =	sst s1;
	(tag) =	ssettag s2;
	_ =	strace s9  }
0x27: {  	s1 =	sld [smem:$0x3FB0]  }
0x28: {  	s2 =	sld [smem:$0x3FB1]  }
0x29: {  	s4 =	sld [smem:$0x3FB3]  }
0x2a: {  	p0 =	seq.s32 s5, $0x0;
	s5 =	sld [smem:$0x3FB4]  }
0x2b: {  	s6 =	sld [smem:$0x3FB5]  }
0x2c: {  	s7 =	sld [smem:$0x3FB6]  }
0x2d: {  	s3 =	simm.s32 $0x108;
	s8 =	sld [smem:$0x3FB7]  }
0x2e: {  	s3 =	simm.s32 @!p0 $0x1082;
	s9 =	sld [smem:$0x3FB8]  }
0x2f: {  	lr =	sadd.s32 s0, s3;
	s0 =	sld [smem:$0x3FAF]  }
0x30: {  	s3 =	sld [smem:$0x3FB2]  }
0x31: {  	[smem:$0x3FBB] =	sst s10  }
0x32: {  	s10 =	sld [smem:$0x3FB9];
	_ =	sdelay $0x3  }
0x33: {  	p0 =	seq.s32 s10, $0x1;
	s10 =	sld [smem:$0x3FBB];
	_ =	sdelay $0x3  }
0x34: {  	[smem:$0x3FBB] =	sst s10  }
0x35: {  	s10 =	sld [smem:$0x3FBA];
	_ =	sdelay $0x3  }
0x36: {  	p1 =	seq.s32 s10, $0x1;
	s10 =	sld [smem:$0x3FBB];
	_ =	sdelay $0x3  }
0x37: {  	[smem:$0x3FBB] =	sst s10  }
0x38: {  	s10 =	sld [smem:$0x3FBC]  }
0x39: {  	_ = 	snop;
	(pc) =	sbr.ind lr, $3  }
0x3a: {  	_ = 	snop  }
0x3b: {  	_ = 	snop  }
0x3c: {  	p2 =	seq.s32 s10, $0x1;
	s10 =	sld [smem:$0x3FBB]  }
0x3d: {  	_ =	shalt  }
0x3e: {  	_ =	shalt  }
0x3f: {  	_ =	shalt  }
0x40: {  	_ =	shalt  }
0x41: {  	_ =	shalt  }
0x42: {  	_ =	shalt  }
0x43: {  	_ =	shalt  }
0x44: {  	_ =	shalt  }
0x45: {  	_ =	shalt  }
0x46: {  	_ =	shalt  }
0x47: {  	_ =	shalt  }
0x48: {  	_ =	shalt  }
0x49: {  	_ =	shalt  }
0x4a: {  	_ =	shalt  }
0x4b: {  	_ =	shalt  }
0x4c: {  	_ =	shalt  }
0x4d: {  	_ =	shalt  }
0x4e: {  	_ =	shalt  }
0x4f: {  	_ =	shalt  }
0x50: {  	_ =	shalt  }
0x51: {  	_ =	shalt  }
0x52: {  	_ =	shalt  }
0x53: {  	_ =	shalt  }
0x54: {  	_ =	shalt  }
0x55: {  	_ =	shalt  }
0x56: {  	_ =	shalt  }
0x57: {  	_ =	shalt  }
0x58: {  	_ =	shalt  }
0x59: {  	_ =	shalt  }
0x5a: {  	_ =	shalt  }
0x5b: {  	_ =	shalt  }
0x5c: {  	_ =	shalt  }
0x5d: {  	_ =	shalt  }
0x5e: {  	_ =	shalt  }
0x5f: {  	_ =	shalt  }
0x60: {  	_ =	shalt  }
0x61: {  	_ =	shalt  }
0x62: {  	_ =	shalt  }
0x63: {  	_ =	shalt  }
0x64: {  	_ =	shalt  }
0x65: {  	_ =	shalt  }
0x66: {  	_ =	shalt  }
0x67: {  	_ =	shalt  }
0x68: {  	_ =	shalt  }
0x69: {  	_ =	shalt  }
0x6a: {  	_ =	shalt  }
0x6b: {  	_ =	shalt  }
0x6c: {  	_ =	shalt  }
0x6d: {  	_ =	shalt  }
0x6e: {  	_ =	shalt  }
0x6f: {  	_ =	shalt  }
0x70: {  	_ =	shalt  }
0x71: {  	_ =	shalt  }
0x72: {  	_ =	shalt  }
0x73: {  	_ =	shalt  }
0x74: {  	_ =	shalt  }
0x75: {  	_ =	shalt  }
0x76: {  	_ =	shalt  }
0x77: {  	_ =	shalt  }
0x78: {  	_ =	shalt  }
0x79: {  	_ =	shalt  }
0x7a: {  	_ =	shalt  }
0x7b: {  	_ =	shalt  }
0x7c: {  	_ =	shalt  }
0x7d: {  	_ =	shalt  }
0x7e: {  	_ =	shalt  }
0x7f: {  	_ =	shalt  }
0x80: {  	_ =	shalt  }
0x81: {  	_ =	shalt  }
0x82: {  	_ =	shalt  }
0x83: {  	_ =	shalt  }
0x84: {  	_ =	shalt  }
0x85: {  	_ =	shalt  }
0x86: {  	_ =	shalt  }
0x87: {  	_ =	shalt  }
.Lfunc_end0:
.L_simem_size_0:
called_computation_lowered:
.L_overlay_start_0:
0x88: {  	s2 =	sld [smem:$0x3FD9]  }
0x89: {  	s3 =	sld [smem:$0x3FFE];
	_ =	sdelay $0x1  }
0x8a: {  	s1 =	srdreg.scid  }
0x8b: {  	s0 =	sand.u32 $0x1, s1  }
0x8c: {  	s17 =	sshll.u32 s0, $0xA;
	s2 =	sadd.s32 s3, s2  }
0x8d: {  	s2 =	sadd.s32 s2, s17  }
0x8e: {  	[smem:$0x3FC7] =	sst s2  }
0x8f: {  	_ = 	snop  }
0x90: {  	s2 =	sld [smem:$0x3FC9];
	(tm) =	ssettm $0x1  }
0x91: {  	s18 =	sld [smem:$0x3FFB];
	_ =	sdelay $0x3  }
0x92: {  	_ =	strace s18  }
0x93: {  	s3 =	sld [smem:$0x3FFC];
	_ =	sdelay $0x3  }
0x94: {  	_ =	strace s3  }
0x95: {  	s3 =	sld [smem:$0x3FFD];
	_ =	sdelay $0x3  }
0x96: {  	_ =	strace s3  }
0x97: {  	_ =	strace $0x8FFFFFFF  }
0x98: {  	s19 =	sld [smem:$0x3FDB];
	_ =	sdelay $0x1  }
0x99: {  	s4 =	simm.s32 $_scs_section_size  }
0x9a: {  	s5 =	simm.s32 $_size__tile_overlayer_lowered;
	s6 =	simm.s32 $_tile_overlayer_lowered  }
0x9b: {  	s22 =	simm.s32 $0x1BFF;
	s21 =	sshll.u32 s6, $0x1;
	s3 =	sadd.s32 s4, s19  }
0x9c: {  	s7 =	simm.s32 $0x0;
	s20 =	sshll.u32 s5, $0x1;
	s5 =	sadd.s32 s21, s3  }
0x9d: {  	[timem:s7], [sflag:s22] =	dma.local [hbm:s5], s20  }
0x9e: {  	_ =	swait.ge [sflag:s22], s20  }
0x9f: {  	s4 =	ssub.s32 $0x0, s20;
	[sflag:s22] =	ssyncset.done $0x0  }
0xa0: {  	[sflag:s22] =	ssyncadd.s32 s4;
	_ =	sdelay $0x1  }
0xa1: {  	s23 =	simm.s32 $0x1B8B  }
0xa2: {  	_ =	swait.ge [sflag:s23], $0x1  }
0xa3: {  	[sflag:s23] =	ssyncset.done $0x0  }
0xa4: {  	s25 =	simm.s32 $0x1B8E;
	s24 =	sld [smem:$0x3FFE];
	[sflag:s23] =	ssyncadd.s32 $0xFFFFFFFF  }
0xa5: {  	s26 =	simm.s32 $execute0_lowered;
	[smem:$0x3FD2] =	sst s25  }
0xa6: {  	s5 =	sshll.u32 s26, $0x1;
	_ =	strace $0x80000046;
	[dreg:$0x1] =	wrdreg $0xFFFFFFFF  }
0xa7: {  	s28 =	simm.s32 $_size_execute0_lowered;
	s3 =	sadd.s32 s3, s5;
	[dreg:$0x0] =	wrdreg $0x0  }
0xa8: {  	s5 =	sshll.u32 s28, $0x1;
	[dreg:$0x2] =	wrdreg s3  }
0xa9: {  	[dreg:$0x3] =	wrdreg s5  }
0xaa: {  	[dreg:$0x4] =	wrdreg $0xC0  }
0xab: {  	_ =	task [dreg:s7], $0x5FFFF  }
0xac: {  	[dreg:$0x1] =	wrdreg $0xFFFFFFFF  }
0xad: {  	[dreg:$0x0] =	wrdreg $0x60  }
0xae: {  	[dreg:$0x2] =	wrdreg s2  }
0xaf: {  	[dreg:$0x3] =	wrdreg s24  }
0xb0: {  	[dreg:$0x4] =	wrdreg $0x9  }
0xb1: {  	_ =	task.clear_ibuf [dreg:s7], $0x5FFFF;
	_ =	strace $0x90000046  }
0xb2: {  	s29 =	simm.s32 $0x9;
	_ =	strace $0x80000048  }
0xb3: {  	_ =	swait.ge [sflag:s29], $0x1  }
0xb4: {  	[sflag:s29] =	ssyncadd.s32 $0xFFFFFFFF  }
0xb5: {  	_ =	strace $0x90000048  }
0xb6: {  	_ =	sfence  }
0xb7: {  	s30 =	sld [smem:$0x0];
	_ =	sdelay $0x2  }
0xb8: {  	s31 =	sshll.u32 s1, $0xD;
	s1 =	sshrl.u32 s1, $0x2  }
0xb9: {  	s3 =	sand.u32 $0x4000, s31;
	s1 =	sadd.s32 s1, s30  }
0xba: {  	s0 =	sor.u32 s3, s0;
	s1 =	sshll.u32 s1, $0x11  }
0xbb: {  	s0 =	sor.u32 s1, s0  }
0xbc: {  	s0 =	sadd.s32 $0x8F2B, s0  }
0xbd: {  	[sflag:s0] =	ssyncadd.remote.s32 $0x1  }
0xbe: {  	_ =	sfence.sel $0xFFFF  }
0xbf: {  	[dreg:$0x0] =	wrdreg $0xFFFFFFFF;
	(pc) =	sbr.abs _section_cstart, $3  }
0xc0: {  	[dreg:$0x1] =	wrdreg $0xFFFFFFFF  }
0xc1: {  	_ =	task.clear_ibuf [dreg:s7], $0x2FFFF;
	_ =	strace $0x9FFFFFFF  }
0xc2: {  	(tm) =	ssettm $0x7FFFFFFF  }
0xc3: {  	_ =	shalt  }
tec
execute0_lowered:
.L_overlay_start_1:
0x0: {  	(tag) =	ssettag $0x1  }
0x1: {  	s0 =	srdreg.scid;
	s3 =	rddreg [dreg:$0x0]  }
0x2: {  	s6 =	rddreg [dreg:$0x1];
	s1 =	stileid.u32;
	s10 =	simm.s32 $0x2000  }
0x3: {  	s11 =	simm.s32 $0x4000;
	s12 =	simm.s32 $0x1;
	s13 =	simm.s32 $0x80  }
0x4: {  	s14 =	simm.s32 $0x2;
	s16 =	simm.s32 $0x3;
	s18 =	simm.s32 $0x6000  }
0x5: {  	s19 =	simm.s32 $0x4;
	s20 =	simm.s32 $0x0;
	s4 =	sand.u32 $0x1, s0  }
0x6: {  	s0 =	rddreg [dreg:$0x2];
	s7 =	sshll.u32 s1, $0x5;
	s2 =	sshll.u32 s4, $0x4  }
0x7: {  	s31 =	sshll.u32 s1, $0x4;
	s4 =	ssub.s32 $0x2, s4;
	s5 =	sor.u32 s1, s2  }
0x8: {  	s2 =	simm.s32 $0x0;
	s30 =	sshrl.u32 s4, $0x1;
	s8 =	sshll.u32 s5, $0xD  }
0x9: {  	[smem:$0x7FF] =	sst s2;
	s9 =	sshll.u32 s5, $0x4;
	s7 =	sor.u32 s7, s8  }
0xa: {  	_ =	strace $0x80000047;
	s8 =	ssub.s32 s4, s30;
	s7 =	sand.u32 $0x38060, s7  }
0xb: {  	v0 =	vlaneseq.u32;
	s9 =	sand.u32 $0x180, s9;
	s3 =	sadd.s32 s3, s7;
	s7 =	sand.u32 $0x70, s31  }
0xc: {  	v0 =	vmul.u32 $0xFFFFFFFF, v0;
	s8 =	smax.u32 s8, $0x1;
	s4 =	sadd.s32 $0x2000, s3;
	s7 =	sadd.s32 s6, s7  }
0xd: {  	vm0 =	vcmask $0x310;
	vm1 =	vcmask $0xB08;
	s5 =	sadd.s32 $0x4000, s3;
	s6 =	sadd.s32 $0x10, s3;
	s7 =	sadd.s32 s9, s7  }
0xe: {  	vm2 =	vcmask $0xB10;
	vm1 =	vmor vm0, vm1;
	v0 =	vadd.s32 $0xF, v0;
	s9 =	simm.s32 $0x400;
	s15 =	sadd.s32 $0x2000, s6;
	s17 =	sadd.s32 $0x4000, s6  }
.LBB2_1:
0xf: {  	[tilespmem:s2], [sflag:$0x1] =	stream.strided.gather [hbm4b:s3+s13], $0x2000, s9, s13, $0x38;
	[tilespmem:$0x6080] =	vst v63  }
0x10: {  	_ = 	snop  }
0x11: {  	[tilespmem:s10], [sflag:$0x2] =	stream.strided.gather [hbm4b:s4+s13], $0x2000, s9, s13, $0x38;
	[tilespmem:$0x6080] =	vst v63  }
0x12: {  	_ = 	snop  }
0x13: {  	[tilespmem:s11], [sflag:$0x3] =	stream.strided.gather [hbm4b:s5+s13], $0x2000, s9, s13, $0x38;
	[tilespmem:$0x6080] =	vst v63  }
0x14: {  	_ =	swait.ge [sflag:s12], $0x2000  }
0x15: {  	[sflag:s12] =	ssyncset.done $0x0  }
0x16: {  	[sflag:s12] =	ssyncadd.s32 $0xFFFFE000  }
0x17: {  	v5 =	vld [tilespmem:s13+$0x30]  }
0x18: {  	v6 =	vld [tilespmem:s13+$0xFFFFFF90]  }
0x19: {  	v7 =	vld [tilespmem:s13+$0xFFFFFFA0]  }
0x1a: {  	v8 =	vld [tilespmem:s13+$0x0]  }
0x1b: {  	v2 =	vld [tilespmem:s13+$0xFFFFFF80]  }
0x1c: {  	v10 =	vld [tilespmem:s13+$0xFFFFFFC0]  }
0x1d: {  	v11 =	vld [tilespmem:s13+$0xFFFFFFB0]  }
0x1e: {  	v4 =	vimm.f32 $-Inf;
	v33 =	vimm.f32 $-Inf;
	v26 =	vimm.f32 $-Inf;
	v20 =	vld [tilespmem:s13+$0xFFFFFFE0]  }
0x1f: {  	v19 =	vimm.f32 $-Inf;
	v15 =	vimm.f32 $-Inf;
	v25 =	vimm.f32 $-Inf;
	v9 =	vld [tilespmem:s13+$0xFFFFFFD0]  }
0x20: {  	v21 =	vimm.f32 $-Inf;
	v17 =	vimm.f32 $-Inf;
	v18 =	vimm.f32 $-Inf;
	v1 =	vld [tilespmem:s13+$0x40]  }
0x21: {  	v29 =	vld [tilespmem:s13+$0x10];
	v13 =	vmax.f32 v4, v2;
	v14 =	vmin.f32 v4, v2;
	v3 =	vmax.f32 v4, v10  }
0x22: {  	v16 =	vld [tilespmem:s13+$0x60];
	v12 =	vmin.f32 v4, v10;
	v24 =	vmax.f32 v4, v11;
	v30 =	vmin.f32 v4, v11  }
0x23: {  	v23 =	vld [tilespmem:s13+$0xFFFFFFF0];
	v27 =	vmin.f32 v4, v7;
	v11 =	vmax.f32 v4, v20;
	v34 =	vmax.f32 v4, v6  }
0x24: {  	v32 =	vld [tilespmem:s13+$0x20];
	v35 =	vmin.f32 v4, v6;
	v31 =	vmin.f32 v4, v9;
	v28 =	vmax.f32 v4, v7  }
0x25: {  	v22 =	vld [tilespmem:s13+$0x70];
	v6 =	vimm.f32 $-Inf;
	v2 =	vmax.f32 v13, v8;
	v10 =	vmin.f32 v13, v8  }
0x26: {  	s21 =	simm.s32 $0x0;
	s22 =	simm.s32 $0x180;
	v8 =	vld [tilespmem:s13+$0x50];
	v13 =	vmax.f32 v4, v14;
	v7 =	vmax.f32 v24, v5;
	v14 =	vmax.f32 v3, v1  }
.LBB2_2:
0x27: {  	v36 =	vld [tilespmem:s22+$0x30];
	s21 =	sadd.s32 $0x2, s21;
	v4 =	vmax.f32 v4, v35;
	v20 =	vmin.f32 v33, v20;
	v35 =	vmax.f32 v34, v29  }
0x28: {  	v26 =	vmax.f32 v26, v30;
	v30 =	vmax.f32 v19, v9;
	v9 =	vmin.f32 v34, v29;
	v37 =	vld [tilespmem:s22+$0xFFFFFF90];
	p0 =	slt.u32 s21, $0x3E  }
0x29: {  	v24 =	vmin.f32 v24, v5;
	v4 =	vmax.f32 v4, v9;
	v29 =	vmin.f32 v11, v16;
	v38 =	vld [tilespmem:s22+$0xFFFFFFA0]  }
0x2a: {  	v33 =	vmax.f32 v15, v27;
	v25 =	vmax.f32 v25, v31;
	v34 =	vld [tilespmem:s22+$0x0];
	v39 =	vmax.f32 v28, v32  }
0x2b: {  	v19 =	vmax.f32 v30, v8;
	v31 =	vmax.f32 v6, v23;
	v9 =	vmin.f32 v28, v32;
	v27 =	vld [tilespmem:s22+$0xFFFFFFB0]  }
0x2c: {  	v12 =	vmax.f32 v21, v12;
	v6 =	vmin.f32 v6, v23;
	v15 =	vmax.f32 v33, v9;
	v28 =	vld [tilespmem:s22+$0xFFFFFF80];
	v5 =	vmovc v36  }
0x2d: {  	v17 =	vmax.f32 v17, v20;
	v18 =	vmax.f32 v18, v6;
	v6 =	vmax.f32 v31, v22;
	v23 =	vld [tilespmem:s22+$0xFFFFFFC0]  }
0x2e: {  	v26 =	vmax.f32 v26, v24;
	v17 =	vmax.f32 v17, v29;
	v21 =	vmin.f32 v31, v22;
	v9 =	vld [tilespmem:s22+$0xFFFFFFD0]  }
0x2f: {  	v8 =	vmin.f32 v30, v8;
	v33 =	vmax.f32 v11, v16;
	v18 =	vmax.f32 v18, v21;
	v20 =	vld [tilespmem:s22+$0xFFFFFFE0]  }
0x30: {  	v3 =	vmin.f32 v3, v1;
	v25 =	vmax.f32 v25, v8;
	v11 =	vmax.f32 v13, v10;
	v1 =	vld [tilespmem:s22+$0x40]  }
0x31: {  	v21 =	vmax.f32 v12, v3;
	v10 =	vmax.f32 v2, v28;
	v13 =	vmin.f32 v2, v28;
	v8 =	vld [tilespmem:s22+$0x50]  }
.Ltmp0:
0x32: {  	v3 =	vmax.f32 v14, v23;
	v12 =	vmin.f32 v14, v23;
	v2 =	vmax.f32 v10, v34;
	v29 =	vld [tilespmem:s22+$0x10];
	(pc) =	sbr.rel @p0 .LBB2_2-.Ltmp0, $4  }
0x33: {  	v24 =	vmax.f32 v7, v27;
	v30 =	vmin.f32 v7, v27;
	v10 =	vmin.f32 v10, v34;
	v16 =	vld [tilespmem:s22+$0x60]  }
0x34: {  	v27 =	vmin.f32 v39, v38;
	v13 =	vmax.f32 v11, v13;
	v11 =	vmax.f32 v33, v20;
	v23 =	vld [tilespmem:s22+$0xFFFFFFF0]  }
0x35: {  	v34 =	vmax.f32 v35, v37;
	v35 =	vmin.f32 v35, v37;
	v31 =	vmin.f32 v19, v9;
	v32 =	vld [tilespmem:s22+$0x20]  }
0x36: {  	v28 =	vmax.f32 v39, v38;
	v7 =	vmax.f32 v24, v5;
	v14 =	vmax.f32 v3, v1;
	v22 =	vld [tilespmem:s22+$0x70];
	s22 =	sadd.s32 $0x100, s22  }
0x37: {  	[tilespmem:s2], [sflag:$0x1] =	stream.strided.gather [hbm4b:s6+s13], $0x2000, s9, s13, $0x38;
	[tilespmem:$0x6080] =	vst v63  }
0x38: {  	_ =	swait.ge [sflag:s14], $0x2000  }
0x39: {  	[sflag:s14] =	ssyncset.done $0x0  }
0x3a: {  	s22 =	simm.s32 $0x2080;
	[sflag:s14] =	ssyncadd.s32 $0xFFFFE000  }
0x3b: {  	v35 =	vmax.f32 v4, v35;
	v20 =	vmin.f32 v33, v20;
	v36 =	vmax.f32 v34, v29;
	v4 =	vld [tilespmem:s22+$0x30]  }
0x3c: {  	v26 =	vmax.f32 v26, v30;
	v19 =	vmax.f32 v19, v9;
	v9 =	vmin.f32 v34, v29;
	v62 =	vld [tilespmem:s22+$0xFFFFFF90]  }
0x3d: {  	v5 =	vmin.f32 v24, v5;
	v27 =	vmax.f32 v15, v27;
	v29 =	vmax.f32 v25, v31;
	v37 =	vld [tilespmem:s22+$0xFFFFFFA0]  }
0x3e: {  	v63 =	vmax.f32 v21, v12;
	v13 =	vmax.f32 v13, v10;
	v3 =	vmin.f32 v3, v1;
	v30 =	vld [tilespmem:s22+$0x0]  }
0x3f: {  	v24 =	vmin.f32 v11, v16;
	v38 =	vmax.f32 v28, v32;
	v28 =	vmin.f32 v28, v32;
	v31 =	vld [tilespmem:s22+$0xFFFFFFB0]  }
0x40: {  	v17 =	vmax.f32 v17, v20;
	v20 =	vmax.f32 v26, v5;
	v12 =	vmax.f32 v27, v28;
	v27 =	vld [tilespmem:s22+$0xFFFFFF80]  }
0x41: {  	v25 =	vmax.f32 v6, v23;
	v6 =	vmin.f32 v6, v23;
	v5 =	vmax.f32 v17, v24;
	v28 =	vld [tilespmem:s22+$0xFFFFFFC0]  }
0x42: {  	v18 =	vmax.f32 v18, v6;
	v6 =	vmax.f32 v25, v22;
	v17 =	vmin.f32 v25, v22;
	v25 =	vld [tilespmem:s22+$0xFFFFFFE0]  }
0x43: {  	v9 =	vmax.f32 v35, v9;
	v15 =	vmax.f32 v19, v8;
	v8 =	vmin.f32 v19, v8;
	v21 =	vld [tilespmem:s22+$0xFFFFFFD0]  }
0x44: {  	v3 =	vmax.f32 v63, v3;
	v24 =	vmax.f32 v11, v16;
	v23 =	vmax.f32 v29, v8;
	v1 =	vld [tilespmem:s22+$0x40]  }
0x45: {  	v10 =	vld [tilespmem:s22+$0x50];
	v11 =	vmax.f32 v18, v17;
	v16 =	vmax.f32 v2, v27;
	v18 =	vmin.f32 v2, v27  }
0x46: {  	v29 =	vld [tilespmem:s22+$0x10];
	v8 =	vmax.f32 v14, v28;
	v22 =	vmin.f32 v14, v28;
	v28 =	vmax.f32 v7, v31  }
0x47: {  	v26 =	vld [tilespmem:s22+$0x70];
	v33 =	vmin.f32 v7, v31;
	v19 =	vmax.f32 v24, v25;
	v35 =	vmax.f32 v36, v62  }
0x48: {  	v17 =	vld [tilespmem:s22+$0x60];
	v7 =	vmin.f32 v36, v62;
	v34 =	vmin.f32 v15, v21;
	v32 =	vmax.f32 v38, v37  }
0x49: {  	v31 =	vld [tilespmem:s22+$0x20];
	v2 =	vmax.f32 v16, v30;
	v14 =	vmin.f32 v16, v30;
	v16 =	vmax.f32 v13, v18  }
0x4a: {  	s21 =	simm.s32 $0x0;
	v27 =	vld [tilespmem:s22+$0xFFFFFFF0];
	s22 =	simm.s32 $0x2180;
	v30 =	vmin.f32 v38, v37;
	v13 =	vmax.f32 v28, v4;
	v18 =	vmax.f32 v8, v1  }
.LBB2_4:
0x4b: {  	v36 =	vld [tilespmem:s22+$0x30];
	s21 =	sadd.s32 $0x2, s21;
	v7 =	vmax.f32 v9, v7;
	v24 =	vmin.f32 v24, v25;
	v37 =	vmax.f32 v35, v29  }
0x4c: {  	v20 =	vmax.f32 v20, v33;
	v33 =	vmax.f32 v15, v21;
	v9 =	vmin.f32 v35, v29;
	v38 =	vld [tilespmem:s22+$0xFFFFFF90];
	p0 =	slt.u32 s21, $0x3E  }
0x4d: {  	v9 =	vmax.f32 v7, v9;
	v7 =	vmin.f32 v28, v4;
	v25 =	vmin.f32 v19, v17;
	v39 =	vld [tilespmem:s22+$0xFFFFFFA0]  }
0x4e: {  	v21 =	vmax.f32 v12, v30;
	v23 =	vmax.f32 v23, v34;
	v35 =	vld [tilespmem:s22+$0x0];
	v40 =	vmax.f32 v32, v31  }
0x4f: {  	v15 =	vmax.f32 v33, v10;
	v28 =	vmax.f32 v6, v27;
	v12 =	vmin.f32 v32, v31;
	v30 =	vld [tilespmem:s22+$0xFFFFFFB0]  }
0x50: {  	v3 =	vmax.f32 v3, v22;
	v6 =	vmin.f32 v6, v27;
	v12 =	vmax.f32 v21, v12;
	v29 =	vld [tilespmem:s22+$0xFFFFFF80];
	v4 =	vmovc v36  }
0x51: {  	v5 =	vmax.f32 v5, v24;
	v11 =	vmax.f32 v11, v6;
	v6 =	vmax.f32 v28, v26;
	v22 =	vld [tilespmem:s22+$0xFFFFFFC0]  }
0x52: {  	v20 =	vmax.f32 v20, v7;
	v5 =	vmax.f32 v5, v25;
	v7 =	vmin.f32 v28, v26;
	v21 =	vld [tilespmem:s22+$0xFFFFFFD0]  }
0x53: {  	v10 =	vmin.f32 v33, v10;
	v24 =	vmax.f32 v19, v17;
	v11 =	vmax.f32 v11, v7;
	v25 =	vld [tilespmem:s22+$0xFFFFFFE0]  }
0x54: {  	v8 =	vmin.f32 v8, v1;
	v23 =	vmax.f32 v23, v10;
	v7 =	vmax.f32 v16, v14;
	v1 =	vld [tilespmem:s22+$0x40]  }
0x55: {  	v3 =	vmax.f32 v3, v8;
	v14 =	vmax.f32 v2, v29;
	v16 =	vmin.f32 v2, v29;
	v10 =	vld [tilespmem:s22+$0x50]  }
.Ltmp1:
0x56: {  	v8 =	vmax.f32 v18, v22;
	v22 =	vmin.f32 v18, v22;
	v2 =	vmax.f32 v14, v35;
	v29 =	vld [tilespmem:s22+$0x10];
	(pc) =	sbr.rel @p0 .LBB2_4-.Ltmp1, $4  }
0x57: {  	v28 =	vmax.f32 v13, v30;
	v33 =	vmin.f32 v13, v30;
	v14 =	vmin.f32 v14, v35;
	v17 =	vld [tilespmem:s22+$0x60]  }
0x58: {  	v30 =	vmin.f32 v40, v39;
	v16 =	vmax.f32 v7, v16;
	v19 =	vmax.f32 v24, v25;
	v27 =	vld [tilespmem:s22+$0xFFFFFFF0]  }
0x59: {  	v35 =	vmax.f32 v37, v38;
	v7 =	vmin.f32 v37, v38;
	v34 =	vmin.f32 v15, v21;
	v31 =	vld [tilespmem:s22+$0x20]  }
0x5a: {  	v32 =	vmax.f32 v40, v39;
	v13 =	vmax.f32 v28, v4;
	v18 =	vmax.f32 v8, v1;
	v26 =	vld [tilespmem:s22+$0x70];
	s22 =	sadd.s32 $0x100, s22  }
0x5b: {  	[tilespmem:s10], [sflag:$0x2] =	stream.strided.gather [hbm4b:s15+s13], $0x2000, s9, s13, $0x38;
	[tilespmem:$0x6080] =	vst v63  }
0x5c: {  	_ =	swait.ge [sflag:s16], $0x2000  }
0x5d: {  	[sflag:s16] =	ssyncset.done $0x0  }
0x5e: {  	s22 =	simm.s32 $0x4080;
	[sflag:s16] =	ssyncadd.s32 $0xFFFFE000  }
0x5f: {  	v9 =	vmax.f32 v9, v7;
	v24 =	vmin.f32 v24, v25;
	v36 =	vmax.f32 v35, v29;
	v7 =	vld [tilespmem:s22+$0x30]  }
0x60: {  	v20 =	vmax.f32 v20, v33;
	v25 =	vmax.f32 v15, v21;
	v15 =	vmin.f32 v35, v29;
	v63 =	vld [tilespmem:s22+$0xFFFFFF90]  }
0x61: {  	v21 =	vmin.f32 v28, v4;
	v4 =	vmax.f32 v12, v30;
	v23 =	vmax.f32 v23, v34;
	v37 =	vld [tilespmem:s22+$0xFFFFFFA0]  }
0x62: {  	v22 =	vmax.f32 v3, v22;
	v14 =	vmax.f32 v16, v14;
	v9 =	vmax.f32 v9, v15;
	v30 =	vld [tilespmem:s22+$0x0]  }
0x63: {  	v28 =	vmin.f32 v19, v17;
	v38 =	vmax.f32 v32, v31;
	v12 =	vmin.f32 v32, v31;
	v31 =	vld [tilespmem:s22+$0xFFFFFFB0]  }
0x64: {  	v15 =	vmax.f32 v25, v10;
	v29 =	vmax.f32 v6, v27;
	v3 =	vmin.f32 v6, v27;
	v27 =	vld [tilespmem:s22+$0xFFFFFF80]  }
0x65: {  	v5 =	vmax.f32 v5, v24;
	v21 =	vmax.f32 v20, v21;
	v6 =	vmax.f32 v11, v3;
	v11 =	vld [tilespmem:s22+$0xFFFFFFC0]  }
0x66: {  	v10 =	vmin.f32 v25, v10;
	v25 =	vmax.f32 v19, v17;
	v3 =	vmax.f32 v5, v28;
	v20 =	vld [tilespmem:s22+$0xFFFFFFD0]  }
0x67: {  	v12 =	vmax.f32 v4, v12;
	v4 =	vmax.f32 v29, v26;
	v5 =	vmin.f32 v29, v26;
	v26 =	vld [tilespmem:s22+$0xFFFFFFE0]  }
0x68: {  	v19 =	vmax.f32 v23, v10;
	v29 =	vld [tilespmem:s22+$0x10];
	v6 =	vmax.f32 v6, v5;
	v5 =	vmin.f32 v8, v1  }
0x69: {  	v1 =	vld [tilespmem:s22+$0x40];
	v16 =	vmax.f32 v22, v5;
	v10 =	vmax.f32 v2, v27;
	v22 =	vmin.f32 v2, v27  }
0x6a: {  	v23 =	vld [tilespmem:s22+$0xFFFFFFF0];
	v5 =	vmax.f32 v18, v11;
	v17 =	vmin.f32 v18, v11;
	v27 =	vmax.f32 v13, v31  }
0x6b: {  	v28 =	vld [tilespmem:s22+$0x20];
	v32 =	vmin.f32 v13, v31;
	v34 =	vmax.f32 v36, v63;
	v35 =	vmin.f32 v36, v63  }
0x6c: {  	v18 =	vld [tilespmem:s22+$0x60];
	v33 =	vmin.f32 v15, v20;
	v31 =	vmax.f32 v38, v37;
	v2 =	vmax.f32 v10, v30  }
0x6d: {  	v24 =	vld [tilespmem:s22+$0x70];
	v10 =	vmin.f32 v10, v30;
	v13 =	vmax.f32 v14, v22;
	v30 =	vmin.f32 v38, v37  }
0x6e: {  	s21 =	simm.s32 $0x0;
	v8 =	vld [tilespmem:s22+$0x50];
	s22 =	simm.s32 $0x4180;
	v22 =	vmax.f32 v25, v26;
	v11 =	vmax.f32 v27, v7;
	v14 =	vmax.f32 v5, v1  }
.LBB2_6:
0x6f: {  	v36 =	vld [tilespmem:s22+$0x30];
	s21 =	sadd.s32 $0x2, s21;
	v9 =	vmax.f32 v9, v35;
	v25 =	vmin.f32 v25, v26;
	v35 =	vmax.f32 v34, v29  }
0x70: {  	v21 =	vmax.f32 v21, v32;
	v32 =	vmax.f32 v15, v20;
	v15 =	vmin.f32 v34, v29;
	v37 =	vld [tilespmem:s22+$0xFFFFFF90];
	p0 =	slt.u32 s21, $0x3E  }
0x71: {  	v26 =	vmin.f32 v27, v7;
	v9 =	vmax.f32 v9, v15;
	v27 =	vmin.f32 v22, v18;
	v38 =	vld [tilespmem:s22+$0xFFFFFFA0]  }
0x72: {  	v20 =	vmax.f32 v12, v30;
	v19 =	vmax.f32 v19, v33;
	v34 =	vld [tilespmem:s22+$0x0];
	v39 =	vmax.f32 v31, v28  }
0x73: {  	v15 =	vmax.f32 v32, v8;
	v29 =	vmax.f32 v4, v23;
	v12 =	vmin.f32 v31, v28;
	v30 =	vld [tilespmem:s22+$0xFFFFFFB0]  }
0x74: {  	v16 =	vmax.f32 v16, v17;
	v4 =	vmin.f32 v4, v23;
	v12 =	vmax.f32 v20, v12;
	v28 =	vld [tilespmem:s22+$0xFFFFFF80];
	v7 =	vmovc v36  }
0x75: {  	v3 =	vmax.f32 v3, v25;
	v6 =	vmax.f32 v6, v4;
	v4 =	vmax.f32 v29, v24;
	v17 =	vld [tilespmem:s22+$0xFFFFFFC0]  }
0x76: {  	v21 =	vmax.f32 v21, v26;
	v3 =	vmax.f32 v3, v27;
	v23 =	vmin.f32 v29, v24;
	v20 =	vld [tilespmem:s22+$0xFFFFFFD0]  }
0x77: {  	v8 =	vmin.f32 v32, v8;
	v25 =	vmax.f32 v22, v18;
	v6 =	vmax.f32 v6, v23;
	v26 =	vld [tilespmem:s22+$0xFFFFFFE0]  }
0x78: {  	v13 =	vmax.f32 v13, v10;
	v5 =	vmin.f32 v5, v1;
	v19 =	vmax.f32 v19, v8;
	v1 =	vld [tilespmem:s22+$0x40]  }
0x79: {  	v16 =	vmax.f32 v16, v5;
	v10 =	vmax.f32 v2, v28;
	v22 =	vmin.f32 v2, v28;
	v8 =	vld [tilespmem:s22+$0x50]  }
.Ltmp2:
0x7a: {  	v5 =	vmax.f32 v14, v17;
	v17 =	vmin.f32 v14, v17;
	v2 =	vmax.f32 v10, v34;
	v29 =	vld [tilespmem:s22+$0x10];
	(pc) =	sbr.rel @p0 .LBB2_6-.Ltmp2, $4  }
0x7b: {  	v27 =	vmax.f32 v11, v30;
	v32 =	vmin.f32 v11, v30;
	v10 =	vmin.f32 v10, v34;
	v18 =	vld [tilespmem:s22+$0x60]  }
0x7c: {  	v30 =	vmin.f32 v39, v38;
	v13 =	vmax.f32 v13, v22;
	v22 =	vmax.f32 v25, v26;
	v23 =	vld [tilespmem:s22+$0xFFFFFFF0]  }
0x7d: {  	v34 =	vmax.f32 v35, v37;
	v35 =	vmin.f32 v35, v37;
	v33 =	vmin.f32 v15, v20;
	v28 =	vld [tilespmem:s22+$0x20]  }
0x7e: {  	v31 =	vmax.f32 v39, v38;
	v11 =	vmax.f32 v27, v7;
	v14 =	vmax.f32 v5, v1;
	v24 =	vld [tilespmem:s22+$0x70];
	s22 =	sadd.s32 $0x100, s22  }
0x7f: {  	v9 =	vmax.f32 v9, v35;
	v25 =	vmin.f32 v25, v26  }
0x80: {  	v26 =	vmax.f32 v34, v29;
	v21 =	vmax.f32 v21, v32;
	v29 =	vmin.f32 v34, v29  }
0x81: {  	v15 =	vmax.f32 v15, v20;
	v7 =	vmin.f32 v27, v7;
	v12 =	vmax.f32 v12, v30  }
0x82: {  	v19 =	vmax.f32 v19, v33;
	v9 =	vmax.f32 v9, v29;
	v20 =	vmin.f32 v22, v18  }
0x83: {  	v30 =	vmax.f32 v15, v8;
	v18 =	vmax.f32 v22, v18;
	v29 =	vmax.f32 v4, v23  }
0x84: {  	v22 =	vmax.f32 v2, v26;
	v27 =	vmax.f32 v31, v28;
	v60 =	vmax.f32 v29, v24  }
0x85: {  	v62 =	vmax.f32 v14, v30;
	v61 =	vmax.f32 v27, v11;
	v63 =	vmax.f32 v18, v60  }
0x86: {  	v28 =	vmin.f32 v31, v28;
	v31 =	vmax.f32 v22, v61;
	v36 =	vmax.f32 v62, v63  }
0x87: {  	v16 =	vmax.f32 v16, v17;
	v1 =	vmin.f32 v5, v1;
	v17 =	vmax.f32 v31, v36  }
0x88: {  	v8 =	vmin.f32 v15, v8;
	v4 =	vmin.f32 v4, v23;
	v23 =	vperm.xlane v17, v0  }
0x89: {  	v4 =	vmax.f32 v6, v4;
	v6 =	vmax.f32 v21, v7;
	v7 =	vmin.f32 v29, v24;
	(xrf0) =	vmax.scan.msk.f32 $0xffff, v17  }
0x8a: {  	v2 =	vmin.f32 v2, v26;
	v4 =	vmax.f32 v4, v7;
	v7 =	vmax.f32 v13, v10;
	(xrf0) =	vmax.scan.msk.f32 $0xffff, v23  }
0x8b: {  	v5 =	vmax.f32 v19, v8;
	v12 =	vmax.f32 v12, v28;
	v7 =	vmax.f32 v7, v9  }
0x8c: {  	v6 =	vmax.f32 v12, v6;
	v2 =	vmax.f32 v2, v7;
	v7 =	vmin.f32 v27, v11  }
0x8d: {  	v3 =	vmax.f32 v3, v25;
	v1 =	vmax.f32 v16, v1;
	v6 =	vmax.f32 v7, v6  }
0x8e: {  	v3 =	vmax.f32 v3, v20;
	v1 =	vmax.f32 v1, v5;
	v7 =	vmin.f32 v14, v30  }
0x8f: {  	v3 =	vmax.f32 v3, v4;
	v1 =	vmax.f32 v7, v1;
	v7 =	vmin.f32 v18, v60;
	v5, _, _ =	vpop (xrf0)  }
0x90: {  	v4 =	vmin.f32 v22, v61;
	v2 =	vmax.f32 v2, v6;
	v3 =	vmax.f32 v7, v3;
	v6, _, _ =	vpop (xrf0)  }
0x91: {  	v7 =	vmin.f32 v62, v63;
	v1 =	vmax.f32 v1, v3;
	v3 =	vperm.xlane v6, v0  }
0x92: {  	v2 =	vmax.f32 v4, v2;
	v1 =	vmax.f32 v7, v1  }
0x93: {  	v4 =	vmin.f32 v31, v36;
	v2 =	vmax.f32 v2, v1;
	v1 =	vmax.f32 v5, v3  }
0x94: {  	v2 =	vmax.f32 v4, v2;
	vm3 =	veq.f32 v17, v1  }
0x95: {  	v4 =	vsel vm3, v2, v17  }
0x96: {  	v2 =	vperm.xlane v4, v0;
	_ =	sdelay $0x1  }
0x97: {  	(xrf0) =	vmax.scan.msk.f32 $0xffff, v2;
	_ =	sdelay $0x4  }
0x98: {  	s22 =	simm.s32 $0x80  }
0x99: {  	[tilespmem:s11], [sflag:$0x3] =	stream.strided.gather [hbm4b:s17+s22], $0x2000, s9, s22, $0x38;
	v3, _, _ =	vpop (xrf0);
	[tilespmem:$0x6080] =	vst v63  }
0x9a: {  	_ =	swait.ge [sflag:s12], $0x2000  }
0x9b: {  	[sflag:s12] =	ssyncset.done $0x0  }
0x9c: {  	[sflag:s12] =	ssyncadd.s32 $0xFFFFE000  }
0x9d: {  	v9 =	vld [tilespmem:s22+$0x30]  }
0x9e: {  	v10 =	vld [tilespmem:s22+$0xFFFFFF90]  }
0x9f: {  	v11 =	vld [tilespmem:s22+$0xFFFFFFA0]  }
0xa0: {  	v12 =	vld [tilespmem:s22+$0x0]  }
0xa1: {  	v6 =	vld [tilespmem:s22+$0xFFFFFF80]  }
0xa2: {  	v14 =	vld [tilespmem:s22+$0xFFFFFFC0]  }
0xa3: {  	v37 =	vimm.f32 $-Inf;
	v25 =	vimm.f32 $-Inf;
	v15 =	vld [tilespmem:s22+$0xFFFFFFB0]  }
0xa4: {  	v8 =	vimm.f32 $-Inf;
	v19 =	vimm.f32 $-Inf;
	v21 =	vimm.f32 $-Inf;
	v23 =	vld [tilespmem:s22+$0xFFFFFFE0]  }
0xa5: {  	v24 =	vimm.f32 $-Inf;
	v29 =	vimm.f32 $-Inf;
	v22 =	vimm.f32 $-Inf;
	v13 =	vld [tilespmem:s22+$0xFFFFFFD0]  }
0xa6: {  	v30 =	vimm.f32 $-Inf;
	v2 =	vmpcnt.ones.xlane vm3;
	v3 =	vperm.xlane v3, v0;
	v5 =	vld [tilespmem:s22+$0x40]  }
0xa7: {  	v33 =	vld [tilespmem:s22+$0x10];
	v17 =	vmax.f32 v8, v6;
	v18 =	vmin.f32 v8, v6;
	v7 =	vmax.f32 v8, v14  }
0xa8: {  	v20 =	vld [tilespmem:s22+$0x60];
	v16 =	vmin.f32 v8, v14;
	v28 =	vmax.f32 v8, v15;
	v34 =	vmin.f32 v8, v15  }
0xa9: {  	v27 =	vld [tilespmem:s22+$0xFFFFFFF0];
	v31 =	vmin.f32 v8, v11;
	v15 =	vmax.f32 v8, v23;
	v38 =	vmax.f32 v8, v10  }
0xaa: {  	v36 =	vld [tilespmem:s22+$0x20];
	v39 =	vmin.f32 v8, v10;
	v35 =	vmin.f32 v8, v13;
	v32 =	vmax.f32 v8, v11  }
0xab: {  	v26 =	vld [tilespmem:s22+$0x70];
	v10 =	vimm.f32 $-Inf;
	v6 =	vmax.f32 v17, v12;
	v14 =	vmin.f32 v17, v12  }
0xac: {  	s21 =	simm.s32 $0x0;
	v12 =	vld [tilespmem:s22+$0x50];
	v17 =	vmax.f32 v8, v18;
	v11 =	vmax.f32 v28, v9;
	v18 =	vmax.f32 v7, v5;
	s22 =	simm.s32 $0x180  }
.LBB2_8:
0xad: {  	v40 =	vld [tilespmem:s22+$0x30];
	s21 =	sadd.s32 $0x2, s21;
	v8 =	vmax.f32 v8, v39;
	v23 =	vmin.f32 v37, v23;
	v39 =	vmax.f32 v38, v33  }
0xae: {  	v30 =	vmax.f32 v30, v34;
	v34 =	vmax.f32 v24, v13;
	v13 =	vmin.f32 v38, v33;
	v41 =	vld [tilespmem:s22+$0xFFFFFF90];
	p0 =	slt.u32 s21, $0x3E  }
0xaf: {  	v28 =	vmin.f32 v28, v9;
	v8 =	vmax.f32 v8, v13;
	v33 =	vmin.f32 v15, v20;
	v42 =	vld [tilespmem:s22+$0xFFFFFFA0]  }
0xb0: {  	v37 =	vmax.f32 v19, v31;
	v29 =	vmax.f32 v29, v35;
	v38 =	vld [tilespmem:s22+$0x0];
	v43 =	vmax.f32 v32, v36  }
0xb1: {  	v24 =	vmax.f32 v34, v12;
	v35 =	vmax.f32 v10, v27;
	v13 =	vmin.f32 v32, v36;
	v31 =	vld [tilespmem:s22+$0xFFFFFFB0]  }
0xb2: {  	v16 =	vmax.f32 v25, v16;
	v10 =	vmin.f32 v10, v27;
	v19 =	vmax.f32 v37, v13;
	v32 =	vld [tilespmem:s22+$0xFFFFFF80];
	v9 =	vmovc v40  }
0xb3: {  	v21 =	vmax.f32 v21, v23;
	v22 =	vmax.f32 v22, v10;
	v10 =	vmax.f32 v35, v26;
	v27 =	vld [tilespmem:s22+$0xFFFFFFC0]  }
0xb4: {  	v30 =	vmax.f32 v30, v28;
	v21 =	vmax.f32 v21, v33;
	v25 =	vmin.f32 v35, v26;
	v13 =	vld [tilespmem:s22+$0xFFFFFFD0]  }
0xb5: {  	v12 =	vmin.f32 v34, v12;
	v37 =	vmax.f32 v15, v20;
	v22 =	vmax.f32 v22, v25;
	v23 =	vld [tilespmem:s22+$0xFFFFFFE0]  }
0xb6: {  	v7 =	vmin.f32 v7, v5;
	v29 =	vmax.f32 v29, v12;
	v15 =	vmax.f32 v17, v14;
	v5 =	vld [tilespmem:s22+$0x40]  }
0xb7: {  	v25 =	vmax.f32 v16, v7;
	v14 =	vmax.f32 v6, v32;
	v17 =	vmin.f32 v6, v32;
	v12 =	vld [tilespmem:s22+$0x50]  }
.Ltmp3:
0xb8: {  	v7 =	vmax.f32 v18, v27;
	v16 =	vmin.f32 v18, v27;
	v6 =	vmax.f32 v14, v38;
	v33 =	vld [tilespmem:s22+$0x10];
	(pc) =	sbr.rel @p0 .LBB2_8-.Ltmp3, $4  }
0xb9: {  	v28 =	vmax.f32 v11, v31;
	v34 =	vmin.f32 v11, v31;
	v14 =	vmin.f32 v14, v38;
	v20 =	vld [tilespmem:s22+$0x60]  }
0xba: {  	v31 =	vmin.f32 v43, v42;
	v17 =	vmax.f32 v15, v17;
	v15 =	vmax.f32 v37, v23;
	v27 =	vld [tilespmem:s22+$0xFFFFFFF0]  }
0xbb: {  	v38 =	vmax.f32 v39, v41;
	v39 =	vmin.f32 v39, v41;
	v35 =	vmin.f32 v24, v13;
	v36 =	vld [tilespmem:s22+$0x20]  }
0xbc: {  	v32 =	vmax.f32 v43, v42;
	v11 =	vmax.f32 v28, v9;
	v18 =	vmax.f32 v7, v5;
	v26 =	vld [tilespmem:s22+$0x70];
	s22 =	sadd.s32 $0x100, s22  }
0xbd: {  	_ =	swait.ge [sflag:s14], $0x2000  }
0xbe: {  	[sflag:s14] =	ssyncset.done $0x0  }
0xbf: {  	s22 =	simm.s32 $0x2080;
	[sflag:s14] =	ssyncadd.s32 $0xFFFFE000  }
0xc0: {  	v39 =	vmax.f32 v8, v39;
	v23 =	vmin.f32 v37, v23;
	v40 =	vmax.f32 v38, v33;
	v8 =	vld [tilespmem:s22+$0x30]  }
0xc1: {  	v30 =	vmax.f32 v30, v34;
	v57 =	vmax.f32 v24, v13;
	v13 =	vmin.f32 v38, v33;
	v58 =	vld [tilespmem:s22+$0xFFFFFF90]  }
0xc2: {  	v9 =	vmin.f32 v28, v9;
	v24 =	vmax.f32 v19, v31;
	v31 =	vmax.f32 v29, v35;
	v41 =	vld [tilespmem:s22+$0xFFFFFFA0]  }
0xc3: {  	v62 =	vmax.f32 v25, v16;
	v17 =	vmax.f32 v17, v14;
	v7 =	vmin.f32 v7, v5;
	v59 =	vld [tilespmem:s22+$0x0]  }
0xc4: {  	v13 =	vmax.f32 v39, v13;
	v28 =	vmin.f32 v15, v20;
	v19 =	vmax.f32 v57, v12;
	v61 =	vld [tilespmem:s22+$0xFFFFFFB0]  }
0xc5: {  	v21 =	vmax.f32 v21, v23;
	v12 =	vmin.f32 v57, v12;
	v7 =	vmax.f32 v62, v7;
	v63 =	vld [tilespmem:s22+$0xFFFFFF80]  }
0xc6: {  	v29 =	vmax.f32 v10, v27;
	v10 =	vmin.f32 v10, v27;
	v27 =	vmax.f32 v31, v12;
	v23 =	vld [tilespmem:s22+$0xFFFFFFC0]  }
0xc7: {  	v42 =	vmax.f32 v32, v36;
	v60 =	vmin.f32 v32, v36;
	v22 =	vmax.f32 v22, v10;
	v25 =	vld [tilespmem:s22+$0xFFFFFFD0]  }
0xc8: {  	v5 =	vld [tilespmem:s22+$0x40];
	v16 =	vmax.f32 v24, v60;
	v10 =	vmax.f32 v29, v26;
	v24 =	vmax.f32 v30, v9  }
0xc9: {  	v14 =	vld [tilespmem:s22+$0x50];
	v9 =	vmax.f32 v21, v28;
	v21 =	vmin.f32 v29, v26;
	v28 =	vmax.f32 v15, v20  }
0xca: {  	v29 =	vld [tilespmem:s22+$0xFFFFFFE0];
	v15 =	vmax.f32 v22, v21;
	v20 =	vmax.f32 v6, v63;
	v22 =	vmin.f32 v6, v63  }
0xcb: {  	v33 =	vld [tilespmem:s22+$0x10];
	v12 =	vmax.f32 v18, v23;
	v26 =	vmin.f32 v18, v23;
	v32 =	vmax.f32 v11, v61  }
0xcc: {  	v31 =	vld [tilespmem:s22+$0xFFFFFFF0];
	v37 =	vmin.f32 v11, v61;
	v34 =	vmin.f32 v42, v41;
	v39 =	vmax.f32 v40, v58  }
0xcd: {  	v21 =	vld [tilespmem:s22+$0x60];
	v11 =	vmin.f32 v40, v58;
	v38 =	vmin.f32 v19, v25;
	v36 =	vmax.f32 v42, v41  }
0xce: {  	v35 =	vld [tilespmem:s22+$0x20];
	v6 =	vmax.f32 v20, v59;
	v18 =	vmin.f32 v20, v59;
	v20 =	vmax.f32 v17, v22  }
0xcf: {  	s21 =	simm.s32 $0x0;
	v30 =	vld [tilespmem:s22+$0x70];
	s22 =	simm.s32 $0x2180;
	v23 =	vmax.f32 v28, v29;
	v17 =	vmax.f32 v32, v8;
	v22 =	vmax.f32 v12, v5  }
.LBB2_10:
0xd0: {  	v40 =	vld [tilespmem:s22+$0x30];
	s21 =	sadd.s32 $0x2, s21;
	v11 =	vmax.f32 v13, v11;
	v28 =	vmin.f32 v28, v29;
	v41 =	vmax.f32 v39, v33  }
0xd1: {  	v24 =	vmax.f32 v24, v37;
	v37 =	vmax.f32 v19, v25;
	v13 =	vmin.f32 v39, v33;
	v42 =	vld [tilespmem:s22+$0xFFFFFF90];
	p0 =	slt.u32 s21, $0x3E  }
0xd2: {  	v13 =	vmax.f32 v11, v13;
	v11 =	vmin.f32 v32, v8;
	v29 =	vmin.f32 v23, v21;
	v43 =	vld [tilespmem:s22+$0xFFFFFFA0]  }
0xd3: {  	v25 =	vmax.f32 v16, v34;
	v27 =	vmax.f32 v27, v38;
	v39 =	vld [tilespmem:s22+$0x0];
	v44 =	vmax.f32 v36, v35  }
0xd4: {  	v19 =	vmax.f32 v37, v14;
	v32 =	vmax.f32 v10, v31;
	v16 =	vmin.f32 v36, v35;
	v34 =	vld [tilespmem:s22+$0xFFFFFFB0]  }
0xd5: {  	v7 =	vmax.f32 v7, v26;
	v10 =	vmin.f32 v10, v31;
	v16 =	vmax.f32 v25, v16;
	v33 =	vld [tilespmem:s22+$0xFFFFFF80];
	v8 =	vmovc v40  }
0xd6: {  	v9 =	vmax.f32 v9, v28;
	v15 =	vmax.f32 v15, v10;
	v10 =	vmax.f32 v32, v30;
	v26 =	vld [tilespmem:s22+$0xFFFFFFC0]  }
0xd7: {  	v24 =	vmax.f32 v24, v11;
	v9 =	vmax.f32 v9, v29;
	v11 =	vmin.f32 v32, v30;
	v25 =	vld [tilespmem:s22+$0xFFFFFFD0]  }
0xd8: {  	v14 =	vmin.f32 v37, v14;
	v28 =	vmax.f32 v23, v21;
	v15 =	vmax.f32 v15, v11;
	v29 =	vld [tilespmem:s22+$0xFFFFFFE0]  }
0xd9: {  	v12 =	vmin.f32 v12, v5;
	v27 =	vmax.f32 v27, v14;
	v11 =	vmax.f32 v20, v18;
	v5 =	vld [tilespmem:s22+$0x40]  }
0xda: {  	v7 =	vmax.f32 v7, v12;
	v18 =	vmax.f32 v6, v33;
	v20 =	vmin.f32 v6, v33;
	v14 =	vld [tilespmem:s22+$0x50]  }
.Ltmp4:
0xdb: {  	v12 =	vmax.f32 v22, v26;
	v26 =	vmin.f32 v22, v26;
	v6 =	vmax.f32 v18, v39;
	v33 =	vld [tilespmem:s22+$0x10];
	(pc) =	sbr.rel @p0 .LBB2_10-.Ltmp4, $4  }
0xdc: {  	v32 =	vmax.f32 v17, v34;
	v37 =	vmin.f32 v17, v34;
	v18 =	vmin.f32 v18, v39;
	v21 =	vld [tilespmem:s22+$0x60]  }
0xdd: {  	v34 =	vmin.f32 v44, v43;
	v20 =	vmax.f32 v11, v20;
	v23 =	vmax.f32 v28, v29;
	v31 =	vld [tilespmem:s22+$0xFFFFFFF0]  }
0xde: {  	v39 =	vmax.f32 v41, v42;
	v11 =	vmin.f32 v41, v42;
	v38 =	vmin.f32 v19, v25;
	v35 =	vld [tilespmem:s22+$0x20]  }
0xdf: {  	v36 =	vmax.f32 v44, v43;
	v17 =	vmax.f32 v32, v8;
	v22 =	vmax.f32 v12, v5;
	v30 =	vld [tilespmem:s22+$0x70];
	s22 =	sadd.s32 $0x100, s22  }
0xe0: {  	_ =	swait.ge [sflag:s16], $0x2000  }
0xe1: {  	[sflag:s16] =	ssyncset.done $0x0  }
0xe2: {  	s22 =	simm.s32 $0x4080;
	[sflag:s16] =	ssyncadd.s32 $0xFFFFE000  }
0xe3: {  	v13 =	vmax.f32 v13, v11;
	v28 =	vmin.f32 v28, v29;
	v40 =	vmax.f32 v39, v33;
	v11 =	vld [tilespmem:s22+$0x30]  }
0xe4: {  	v24 =	vmax.f32 v24, v37;
	v29 =	vmax.f32 v19, v25;
	v19 =	vmin.f32 v39, v33;
	v59 =	vld [tilespmem:s22+$0xFFFFFF90]  }
0xe5: {  	v25 =	vmin.f32 v32, v8;
	v8 =	vmax.f32 v16, v34;
	v27 =	vmax.f32 v27, v38;
	v41 =	vld [tilespmem:s22+$0xFFFFFFA0]  }
0xe6: {  	v26 =	vmax.f32 v7, v26;
	v18 =	vmax.f32 v20, v18;
	v13 =	vmax.f32 v13, v19;
	v61 =	vld [tilespmem:s22+$0x0]  }
0xe7: {  	v60 =	vmin.f32 v23, v21;
	v19 =	vmax.f32 v29, v14;
	v9 =	vmax.f32 v9, v28;
	v63 =	vld [tilespmem:s22+$0xFFFFFFB0]  }
0xe8: {  	v25 =	vmax.f32 v24, v25;
	v62 =	vmax.f32 v10, v31;
	v7 =	vmin.f32 v10, v31;
	v31 =	vld [tilespmem:s22+$0xFFFFFF80]  }
0xe9: {  	v14 =	vmin.f32 v29, v14;
	v29 =	vmax.f32 v23, v21;
	v10 =	vmax.f32 v15, v7;
	v15 =	vld [tilespmem:s22+$0xFFFFFFC0]  }
0xea: {  	v23 =	vmax.f32 v27, v14;
	v42 =	vmax.f32 v36, v35;
	v16 =	vmin.f32 v36, v35;
	v24 =	vld [tilespmem:s22+$0xFFFFFFD0]  }
0xeb: {  	v7 =	vmax.f32 v9, v60;
	v33 =	vld [tilespmem:s22+$0x10];
	v16 =	vmax.f32 v8, v16;
	v9 =	vmin.f32 v62, v30  }
0xec: {  	v8 =	vmax.f32 v62, v30;
	v30 =	vld [tilespmem:s22+$0xFFFFFFE0];
	v10 =	vmax.f32 v10, v9;
	v9 =	vmin.f32 v12, v5  }
0xed: {  	v5 =	vld [tilespmem:s22+$0x40];
	v20 =	vmax.f32 v26, v9;
	v14 =	vmax.f32 v6, v31;
	v26 =	vmin.f32 v6, v31  }
0xee: {  	v28 =	vld [tilespmem:s22+$0xFFFFFFF0];
	v9 =	vmax.f32 v22, v15;
	v21 =	vmin.f32 v22, v15;
	v31 =	vmax.f32 v17, v63  }
0xef: {  	v32 =	vld [tilespmem:s22+$0x20];
	v36 =	vmin.f32 v17, v63;
	v34 =	vmin.f32 v42, v41;
	v38 =	vmax.f32 v40, v59  }
0xf0: {  	v22 =	vld [tilespmem:s22+$0x60];
	v39 =	vmin.f32 v40, v59;
	v37 =	vmin.f32 v19, v24;
	v35 =	vmax.f32 v42, v41  }
0xf1: {  	v27 =	vld [tilespmem:s22+$0x70];
	v6 =	vmax.f32 v14, v61;
	v14 =	vmin.f32 v14, v61;
	v17 =	vmax.f32 v18, v26  }
0xf2: {  	s21 =	simm.s32 $0x0;
	v12 =	vld [tilespmem:s22+$0x50];
	s22 =	simm.s32 $0x4180;
	v26 =	vmax.f32 v29, v30;
	v15 =	vmax.f32 v31, v11;
	v18 =	vmax.f32 v9, v5  }
.LBB2_12:
0xf3: {  	v40 =	vld [tilespmem:s22+$0x30];
	s21 =	sadd.s32 $0x2, s21;
	v13 =	vmax.f32 v13, v39;
	v29 =	vmin.f32 v29, v30;
	v39 =	vmax.f32 v38, v33  }
0xf4: {  	v25 =	vmax.f32 v25, v36;
	v36 =	vmax.f32 v19, v24;
	v19 =	vmin.f32 v38, v33;
	v41 =	vld [tilespmem:s22+$0xFFFFFF90];
	p0 =	slt.u32 s21, $0x3E  }
0xf5: {  	v30 =	vmin.f32 v31, v11;
	v13 =	vmax.f32 v13, v19;
	v31 =	vmin.f32 v26, v22;
	v42 =	vld [tilespmem:s22+$0xFFFFFFA0]  }
0xf6: {  	v24 =	vmax.f32 v16, v34;
	v23 =	vmax.f32 v23, v37;
	v38 =	vld [tilespmem:s22+$0x0];
	v43 =	vmax.f32 v35, v32  }
0xf7: {  	v19 =	vmax.f32 v36, v12;
	v33 =	vmax.f32 v8, v28;
	v16 =	vmin.f32 v35, v32;
	v34 =	vld [tilespmem:s22+$0xFFFFFFB0]  }
0xf8: {  	v20 =	vmax.f32 v20, v21;
	v8 =	vmin.f32 v8, v28;
	v16 =	vmax.f32 v24, v16;
	v32 =	vld [tilespmem:s22+$0xFFFFFF80];
	v11 =	vmovc v40  }
0xf9: {  	v7 =	vmax.f32 v7, v29;
	v10 =	vmax.f32 v10, v8;
	v8 =	vmax.f32 v33, v27;
	v21 =	vld [tilespmem:s22+$0xFFFFFFC0]  }
0xfa: {  	v25 =	vmax.f32 v25, v30;
	v7 =	vmax.f32 v7, v31;
	v27 =	vmin.f32 v33, v27;
	v24 =	vld [tilespmem:s22+$0xFFFFFFD0]  }
0xfb: {  	v12 =	vmin.f32 v36, v12;
	v29 =	vmax.f32 v26, v22;
	v10 =	vmax.f32 v10, v27;
	v30 =	vld [tilespmem:s22+$0xFFFFFFE0]  }
0xfc: {  	v17 =	vmax.f32 v17, v14;
	v9 =	vmin.f32 v9, v5;
	v23 =	vmax.f32 v23, v12;
	v5 =	vld [tilespmem:s22+$0x40]  }
0xfd: {  	v20 =	vmax.f32 v20, v9;
	v14 =	vmax.f32 v6, v32;
	v26 =	vmin.f32 v6, v32;
	v12 =	vld [tilespmem:s22+$0x50]  }
.Ltmp5:
0xfe: {  	v9 =	vmax.f32 v18, v21;
	v21 =	vmin.f32 v18, v21;
	v6 =	vmax.f32 v14, v38;
	v33 =	vld [tilespmem:s22+$0x10];
	(pc) =	sbr.rel @p0 .LBB2_12-.Ltmp5, $4  }
0xff: {  	v31 =	vmax.f32 v15, v34;
	v36 =	vmin.f32 v15, v34;
	v14 =	vmin.f32 v14, v38;
	v22 =	vld [tilespmem:s22+$0x60]  }
0x100: {  	v34 =	vmin.f32 v43, v42;
	v17 =	vmax.f32 v17, v26;
	v26 =	vmax.f32 v29, v30;
	v28 =	vld [tilespmem:s22+$0xFFFFFFF0]  }
0x101: {  	v38 =	vmax.f32 v39, v41;
	v39 =	vmin.f32 v39, v41;
	v37 =	vmin.f32 v19, v24;
	v32 =	vld [tilespmem:s22+$0x20]  }
0x102: {  	v35 =	vmax.f32 v43, v42;
	v15 =	vmax.f32 v31, v11;
	v18 =	vmax.f32 v9, v5;
	v27 =	vld [tilespmem:s22+$0x70];
	s22 =	sadd.s32 $0x100, s22  }
0x103: {  	v13 =	vmax.f32 v13, v39;
	v29 =	vmin.f32 v29, v30  }
0x104: {  	v30 =	vmax.f32 v38, v33;
	v25 =	vmax.f32 v25, v36;
	v51 =	vmin.f32 v38, v33  }
0x105: {  	v19 =	vmax.f32 v19, v24;
	v11 =	vmin.f32 v31, v11;
	v16 =	vmax.f32 v16, v34  }
0x106: {  	v23 =	vmax.f32 v23, v37;
	v20 =	vmax.f32 v20, v21;
	v49 =	vmax.f32 v17, v14  }
0x107: {  	v55 =	vmax.f32 v19, v12;
	v57 =	vmax.f32 v26, v22;
	v54 =	vmax.f32 v8, v28  }
0x108: {  	v58 =	vmax.f32 v6, v30;
	v53 =	vmax.f32 v35, v32;
	v56 =	vmax.f32 v54, v27  }
0x109: {  	v60 =	vmax.f32 v18, v55;
	v59 =	vmax.f32 v53, v15;
	v61 =	vmax.f32 v57, v56  }
0x10a: {  	v5 =	vmin.f32 v9, v5;
	v63 =	vmax.f32 v58, v59;
	v40 =	vmax.f32 v60, v61  }
0x10b: {  	v13 =	vmax.f32 v13, v51;
	v52 =	vmin.f32 v26, v22;
	v44 =	vmax.f32 v63, v40  }
0x10c: {  	(xrf0) =	vmax.scan.msk.f32 $0xffff, v4;
	v7 =	vmax.f32 v7, v29;
	v46 =	vmax.f32 v25, v11;
	v45 =	vperm.xlane v44, v0  }
0x10d: {  	v48 =	vmin.f32 v19, v12;
	v5 =	vmax.f32 v20, v5;
	v51 =	vmin.f32 v6, v30;
	(xrf0) =	vmax.scan.msk.f32 $0xffff, v44  }
0x10e: {  	v43 =	vmin.f32 v8, v28;
	v7 =	vmax.f32 v7, v52;
	v50 =	vmax.f32 v23, v48;
	(xrf0) =	vmax.scan.msk.f32 $0xffff, v45  }
0x10f: {  	v4 =	vmax.f32 v49, v13;
	v62 =	vmin.f32 v35, v32;
	v8 =	vmax.f32 v10, v43  }
0x110: {  	v4 =	vmax.f32 v51, v4;
	v5 =	vmax.f32 v5, v50;
	v16 =	vmax.f32 v16, v62  }
0x111: {  	v47 =	vmin.f32 v54, v27;
	v52 =	vmin.f32 v53, v15;
	v54 =	vmin.f32 v18, v55  }
0x112: {  	v8 =	vmax.f32 v8, v47;
	v10 =	vmax.f32 v16, v46;
	v5 =	vmax.f32 v54, v5;
	v53, _, _ =	vpop (xrf0)  }
0x113: {  	v55 =	vmin.f32 v57, v56;
	v57 =	vmin.f32 v58, v59;
	v7 =	vmax.f32 v7, v8;
	v56, _, _ =	vpop (xrf0)  }
0x114: {  	v6 =	vmax.f32 v52, v10;
	v59 =	vmin.f32 v60, v61;
	v7 =	vmax.f32 v55, v7;
	v58, _, _ =	vpop (xrf0)  }
0x115: {  	v4 =	vmax.f32 v4, v6;
	v5 =	vmax.f32 v5, v7;
	v6 =	vperm.xlane v58, v0  }
0x116: {  	v4 =	vmax.f32 v57, v4;
	v5 =	vmax.f32 v59, v5  }
0x117: {  	v60 =	vmin.f32 v63, v40;
	v4 =	vmax.f32 v4, v5;
	v61 =	vmax.f32 v56, v6  }
0x118: {  	v4 =	vmax.f32 v60, v4;
	vm3 =	veq.f32 v44, v61  }
0x119: {  	v4 =	vsel vm3, v4, v44  }
0x11a: {  	v62 =	vperm.xlane v4, v0  }
0x11b: {  	(xrf0) =	vmax.scan.msk.f32 $0xffff, v4  }
0x11c: {  	(xrf0) =	vmax.scan.msk.f32 $0xffff, v62;
	_ =	sdelay $0x4  }
0x11d: {  	v4, _, _ =	vpop (xrf0)  }
0x11e: {  	vm4 =	vgt.s32 v2, $0x1;
	v2 =	vmax.f32 v53, v3;
	v3, _, _ =	vpop (xrf0)  }
0x11f: {  	v63 =	vmpcnt.ones.xlane vm3;
	vm3 =	vmmov $0x1;
	v3 =	vperm.xlane v3, v0  }
0x120: {  	v2 =	vsel vm4, v1, v2;
	v1 =	vnsel vm3, $0x0, v1  }
0x121: {  	v1 =	vsel vm0, v1, v2;
	vm3 =	vgt.s32 v63, $0x1;
	v2 =	vmax.f32 v4, v3  }
0x122: {  	s20 =	sadd.s32 $0x1, s20;
	v1 =	vsel vm1, v1, v61;
	v2 =	vsel vm3, v61, v2  }
0x123: {  	p0 =	sne.s32 s20, s8;
	v1 =	vsel vm2, v1, v2  }
.Ltmp6:
0x124: {  	[tilespmem:$0x6000] =	vst v1;
	(pc) =	sbr.rel @p0 .LBB2_1-.Ltmp6, $4  }
0x125: {  	[hbm4b:s7+s2] =	stream.linear.scatter [tilespmem:s18], [sflag:$0x4], $0x80, $0x38;
	[tilespmem:$0x6080] =	vst v63  }
0x126: {  	_ =	swait.ge [sflag:s19], $0x80  }
0x127: {  	[sflag:s19] =	ssyncset.done $0x0  }
0x128: {  	[sflag:s19] =	ssyncadd.s32 $0xFFFFFF80  }
0x129: {  	_ =	sfence.sel $0x180000  }
0x12a: {  	[bflag:$0x0] =	sbarrier.arrive $0xFFFF  }
0x12b: {  	p0 =	sne.s32 s1, $0x0;
	_ =	strace $0x90000047  }
0x12c: {  	s0 =	sadd.s32 @!p0 $0x100000, s0;
	[bflag:$0x2] =	sbarrier.arrive $0xFFFF  }
0x12d: {  	[sflag:s0] =	ssyncadd.tile.s32 @!p0 $0x1;
	_ =	shalt  }
.Lfunc_end2:
_tile_overlayer_lowered:
.L_overlay_start_2:
0x12e: {  	(tag) =	ssettag $0x2  }
0x12f: {  	s0 =	rddreg [dreg:$0x0];
	s2 =	stileid.u32  }
0x130: {  	s1 =	rddreg [dreg:$0x1];
	p0 =	sne.s32 s2, $0x0  }
0x131: {  	s3 =	rddreg [dreg:$0x2];
	[bflag:$0x3] =	sbarrier.arrive $0xFFFF;
	s2 =	simm.s32 @!p0 $0x1C04  }
0x132: {  	[timem:s3], [sflag:s2] =	dma.local @!p0 [hbm:s0], s1  }
0x133: {  	s0 =	simm.s32 @!p0 $0x4  }
0x134: {  	_ =	swait.ge @!p0 [sflag:s0], s1  }
0x135: {  	s1 =	ssub.s32 @!p0 $0x0, s1;
	[sflag:s0] =	ssyncset.done @!p0 $0x0  }
0x136: {  	[sflag:s0] =	ssyncadd.s32 @!p0 s1  }
0x137: {  	[bflag:$0x3] =	sbarrier.arrive $0xFFFF  }
0x138: {  	_ =	shalt  }

</sc_bundles>
